<compile_context>
chip_gen: v7x
topology: tpu7x:2x2x1
jax: 0.10.2.dev20260603
libtpu: 0.0.44.dev20260713+nightly
codegen_flags: <defaults>
</compile_context>

<pallas_src>
import jax
import jax.numpy as jnp
from jax import lax
from jax.experimental import pallas as pl
from jax.experimental.pallas import tpu as pltpu
from jax.experimental.pallas import tpu_sc as plsc

_N_NOISY = 50000
_N_CLEAN = 52000
_NQ = 128
_K = 32
_C = 4
_F = 128
_HID = 128
_NBLK = 4
_SIGMA = 0.01

_N1_PAD = 51200
_N1_CHUNK = 25600
_N1_NCHUNK = 2
_N2_PAD = 52224
_N2_CHUNK = 6528
_N2_NCHUNK = 8
_QTILE = 512
_BIGF = 3.0e38
_BIGI = 2 ** 30


def _knn1_body(q_ref, xyc_ref, idx_ref):
    q = q_ref[...]
    qsq = jnp.sum(q * q, axis=1, keepdims=True)
    nslot = _N1_NCHUNK * _K
    slot_iota = lax.broadcasted_iota(jnp.int32, (1, nslot), 1)

    def chunk_body(c, carry):
        cv, ci = carry
        ch = xyc_ref[c]
        psq = jnp.sum(ch * ch, axis=0, keepdims=True)
        d2 = qsq - 2.0 * jnp.dot(q, ch, preferred_element_type=jnp.float32) + psq
        iota = lax.broadcasted_iota(jnp.int32, d2.shape, 1)

        def k_body(k, kc):
            d2k, cv, ci = kc
            m = jnp.min(d2k, axis=1, keepdims=True)
            sel0 = d2k == m
            pos = jnp.min(jnp.where(sel0, iota, _BIGI), axis=1, keepdims=True)
            d2k = jnp.where(sel0, _BIGF, d2k)
            sel = slot_iota == (c * _K + k)
            cv = jnp.where(sel, m, cv)
            ci = jnp.where(sel, pos + c * _N1_CHUNK, ci)
            return d2k, cv, ci

        _, cv, ci = lax.fori_loop(0, _K, k_body, (d2, cv, ci))
        return cv, ci

    cv0 = jnp.full((_NQ, nslot), _BIGF, jnp.float32)
    ci0 = jnp.zeros((_NQ, nslot), jnp.int32)
    cv, ci = lax.fori_loop(0, _N1_NCHUNK, chunk_body, (cv0, ci0))

    iota2 = lax.broadcasted_iota(jnp.int32, cv.shape, 1)
    kiota = lax.broadcasted_iota(jnp.int32, (1, _K), 1)

    def out_body(k, oc):
        cv, out = oc
        m = jnp.min(cv, axis=1, keepdims=True)
        pos = jnp.min(jnp.where(cv == m, iota2, _BIGI), axis=1, keepdims=True)
        sel = iota2 == pos
        gi = jnp.sum(jnp.where(sel, ci, 0), axis=1, keepdims=True)
        out = jnp.where(kiota == k, gi, out)
        cv = jnp.where(sel, _BIGF, cv)
        return cv, out

    _, out = lax.fori_loop(0, _K, out_body,
                           (cv, jnp.zeros((_NQ, _K), jnp.int32)))
    idx_ref[...] = out


def _knn1(qxy8, xyc):
    return pl.pallas_call(
        _knn1_body,
        out_shape=jax.ShapeDtypeStruct((_NQ, _K), jnp.int32),
    )(qxy8, xyc)


def _sc_gather_body(table_hbm, idx_hbm, out_hbm, idx_v, rows_v, sem):
    wid = lax.axis_index("s") * 2 + lax.axis_index("c")
    base = wid * 128
    pltpu.sync_copy(idx_hbm.at[pl.ds(base, 128)], idx_v)
    pltpu.async_copy(table_hbm.at[idx_v], rows_v, sem).wait()
    pltpu.sync_copy(rows_v, out_hbm.at[pl.ds(base, 128)])


def _sc_gather(table128, idxf):
    mesh = plsc.VectorSubcoreMesh(core_axis_name="c", subcore_axis_name="s")
    k = pl.kernel(
        _sc_gather_body,
        out_type=jax.ShapeDtypeStruct((_NQ * _K, 128), jnp.float32),
        mesh=mesh,
        scratch_types=[
            pltpu.VMEM((128,), jnp.int32),
            pltpu.VMEM((128, 128), jnp.float32),
            pltpu.SemaphoreType.DMA,
        ],
    )
    return k(table128, idxf)


def _knn2_body(fq_ref, cc_ref, mz_ref):
    q = fq_ref[...]
    qsq = jnp.sum(q * q, axis=1, keepdims=True)
    nb = _N2_CHUNK // 128

    def chunk_body(c, carry):
        r1, r2, r3, r4, z1, z2, z3, z4 = carry
        ch = cc_ref[c]
        xy = ch[0:2]
        psq = jnp.sum(xy * xy, axis=0, keepdims=True)
        zrow = ch[2:3]
        d2 = qsq - 2.0 * jnp.dot(q, ch, preferred_element_type=jnp.float32) + psq
        r = [r1, r2, r3, r4]
        z = [z1, z2, z3, z4]
        for b in range(nb):
            e = d2[:, b * 128:(b + 1) * 128]
            ez = zrow[:, b * 128:(b + 1) * 128]
            for i in range(4):
                cond = e < r[i]
                nri = jnp.where(cond, e, r[i])
                nzi = jnp.where(cond, ez, z[i])
                e = jnp.where(cond, r[i], e)
                ez = jnp.where(cond, z[i], ez)
                r[i], z[i] = nri, nzi
        return tuple(r) + tuple(z)

    full = lambda v: jnp.full((_QTILE, 128), v, jnp.float32)
    init = (full(_BIGF),) * 4 + (full(0.0),) * 4
    res = lax.fori_loop(0, _N2_NCHUNK, chunk_body, init)
    cv = jnp.concatenate(res[:4], axis=1)
    cz = jnp.concatenate(res[4:], axis=1)

    iota2 = lax.broadcasted_iota(jnp.int32, cv.shape, 1)

    def out_body(k, oc):
        cv, acc = oc
        m = jnp.min(cv, axis=1, keepdims=True)
        pos = jnp.min(jnp.where(cv == m, iota2, _BIGI), axis=1, keepdims=True)
        sel = iota2 == pos
        acc = acc + jnp.sum(jnp.where(sel, cz, 0.0), axis=1, keepdims=True)
        cv = jnp.where(sel, _BIGF, cv)
        return cv, acc

    _, acc = lax.fori_loop(0, _C, out_body,
                           (cv, jnp.zeros((_QTILE, 1), jnp.float32)))
    mz_ref[...] = acc * (1.0 / _C)


def _knn2(fq, cc):
    n = _NQ * _K
    return pl.pallas_call(
        _knn2_body,
        grid=(n // _QTILE,),
        in_specs=[
            pl.BlockSpec((_QTILE, 8), lambda i: (i, 0)),
            pl.BlockSpec((_N2_NCHUNK, 8, _N2_CHUNK), lambda i: (0, 0, 0)),
        ],
        out_specs=pl.BlockSpec((_QTILE, 1), lambda i: (i, 0)),
        out_shape=jax.ShapeDtypeStruct((n, 1), jnp.float32),
    )(fq, cc)


def _mlp_body(q_ref, fr_ref, mz_ref, w1_ref, b1_ref, w2_ref, b2_ref,
              wa_ref, wbf_ref, bin_ref, wbk_ref, bbk_ref, wo_ref, bo_ref,
              out_ref):
    q = q_ref[...]
    h = jnp.maximum(jnp.dot(q, w1_ref[...], preferred_element_type=jnp.float32)
                    + b1_ref[...], 0.0)
    feat = jnp.dot(h, w2_ref[...], preferred_element_type=jnp.float32) + b2_ref[...]
    fr = fr_ref[...]

    def rep(a):
        return jnp.reshape(
            jnp.broadcast_to(a[:, None, :], (_NQ, _K, a.shape[1])),
            (_NQ * _K, a.shape[1]))

    cfeat = rep(feat)
    x = fr - rep(q)
    hs = jnp.maximum(
        jnp.dot(x, wa_ref[...], preferred_element_type=jnp.float32)
        + jnp.dot(cfeat, wbf_ref[...], preferred_element_type=jnp.float32)
        + bin_ref[...], 0.0)
    for i in range(_NBLK):
        hs = jnp.maximum(
            jnp.dot(hs, wbk_ref[i], preferred_element_type=jnp.float32)
            + bbk_ref[i], 0.0) + hs
    gp = jnp.dot(hs, wo_ref[...], preferred_element_type=jnp.float32)
    colmask = lax.broadcasted_iota(jnp.int32, gp.shape, 1) == 0
    z = fr[:, 2:3]
    gt = mz_ref[...] - z
    diff = jnp.where(colmask, gt - (gp + bo_ref[...]), 0.0)
    total = jnp.sum(diff * diff)
    out_ref[...] = jnp.reshape(0.5 * total * (1.0 / _SIGMA) / (_NQ * _K), (1, 1))


def _mlp(q16, frames16, mz, w1p, b1, w2, b2, wina, winb, binp, wbk, bbk, wop, bop):
    return pl.pallas_call(
        _mlp_body,
        out_shape=jax.ShapeDtypeStruct((1, 1), jnp.float32),
    )(q16, frames16, mz, w1p, b1, w2, b2, wina, winb, binp, wbk, bbk, wop, bop)


def kernel(pcl_noisy, pcl_clean, feat_W1, feat_b1, feat_W2, feat_b2,
           score_Win, score_bin, score_Wb, score_bb, score_Wout, score_bout):
    f32 = jnp.float32
    pn = pcl_noisy[0]
    pc = pcl_clean[0]

    table128 = jnp.pad(pn, ((0, 0), (0, 125)))
    q16 = jnp.pad(pn[:_NQ], ((0, 0), (0, 13)))

    def aug_queries(xy, n):
        return jnp.concatenate([xy, jnp.zeros((n, 6), f32)], axis=1)

    qxy8 = aug_queries(pn[:_NQ, :2], _NQ)

    def aug_points(rows, npts, npad, nchunk, chunk):
        nr = rows.shape[0]
        body = jnp.concatenate([rows, jnp.zeros((8 - nr, npts), f32)], axis=0)
        w = npad - npts
        pad = jnp.concatenate(
            [jnp.full((2, w), 1e6, f32), jnp.zeros((6, w), f32)], axis=0)
        out = jnp.concatenate([body, pad], axis=1)
        return out.reshape(8, nchunk, chunk).transpose(1, 0, 2)

    xyc = aug_points(pn[:, :2].T, _N_NOISY, _N1_PAD, _N1_NCHUNK, _N1_CHUNK)
    cc = aug_points(pc.T, _N_CLEAN, _N2_PAD, _N2_NCHUNK, _N2_CHUNK)

    idx = _knn1(qxy8, xyc)
    idxf = idx.reshape(_NQ * _K)
    frames16 = _sc_gather(table128, idxf)[:, :16]
    fq = aug_queries(frames16[:, :2], _NQ * _K)
    mz = _knn2(fq, cc)

    w1p = jnp.pad(feat_W1, ((0, 13), (0, 0)))
    wina = jnp.pad(score_Win[:3], ((0, 13), (0, 0)))
    winb = score_Win[3:]
    wop = jnp.pad(score_Wout, ((0, 0), (0, 127)))
    loss = _mlp(q16, frames16, mz,
                w1p, feat_b1.reshape(1, _F), feat_W2, feat_b2.reshape(1, _F),
                wina, winb, score_bin.reshape(1, _HID),
                score_Wb, score_bb.reshape(_NBLK, 1, _HID),
                wop, score_bout.reshape(1, 1))
    return loss[0, 0]

# --- scband reference (transcript-rebuilt; emitter-appended) ---
"""Pipeline reference for scband-denoise-net-28767690949312 (READ-ONLY COPY).

The authoritative reference and input builder live on the scoring server;
editing this copy changes nothing except your own understanding.
"""

import jax, jax.numpy as jnp
import numpy as np

FRAME_KNN = 32
NUM_TRAIN = 128
NUM_CLEAN_NBS = 4
DSM_SIGMA = 0.01
HID = 128
NBLOCKS = 4
FEAT = 128


def setup_inputs(seed: int = 0) -> dict:
    key = jax.random.key(seed)
    ks = jax.random.split(key, 14)
    pcl_noisy = jax.random.normal(ks[0], (1, 50000, 3), dtype=jnp.float32)
    pcl_clean = jax.random.normal(ks[1], (1, 52000, 3), dtype=jnp.float32)
    feat_W1 = jax.random.normal(ks[2], (3, FEAT), dtype=jnp.float32) * 0.1
    feat_b1 = jnp.zeros((FEAT,), dtype=jnp.float32)
    feat_W2 = jax.random.normal(ks[3], (FEAT, FEAT), dtype=jnp.float32) * 0.1
    feat_b2 = jnp.zeros((FEAT,), dtype=jnp.float32)
    score_Win = jax.random.normal(ks[4], (3 + FEAT, HID), dtype=jnp.float32) * 0.1
    score_bin = jnp.zeros((HID,), dtype=jnp.float32)
    score_Wb = jax.random.normal(ks[5], (NBLOCKS, HID, HID), dtype=jnp.float32) * 0.05
    score_bb = jnp.zeros((NBLOCKS, HID), dtype=jnp.float32)
    score_Wout = jax.random.normal(ks[6], (HID, 1), dtype=jnp.float32) * 0.1
    score_bout = jnp.zeros((1,), dtype=jnp.float32)
    return {
        "pcl_noisy": pcl_noisy, "pcl_clean": pcl_clean,
        "feat_W1": feat_W1, "feat_b1": feat_b1, "feat_W2": feat_W2, "feat_b2": feat_b2,
        "score_Win": score_Win, "score_bin": score_bin,
        "score_Wb": score_Wb, "score_bb": score_bb,
        "score_Wout": score_Wout, "score_bout": score_bout,
    }


def _knn_idx(q, pts, k):
    # q: (Q, D), pts: (P, D) -> indices of k nearest points (Q, k)
    d2 = jnp.sum(q * q, axis=-1, keepdims=True) - 2.0 * (q @ pts.T) + jnp.sum(pts * pts, axis=-1)[None, :]
    _, idx = jax.lax.top_k(-d2, k)
    return idx


def reference(pcl_noisy, pcl_clean, feat_W1, feat_b1, feat_W2, feat_b2,
              score_Win, score_bin, score_Wb, score_bb, score_Wout, score_bout):
    B, Nn, d = pcl_noisy.shape
    Nc = pcl_clean.shape[1]
    n, K, C = NUM_TRAIN, FRAME_KNN, NUM_CLEAN_NBS
    # deterministic stand-in for get_random_indices
    pnt_idx = jnp.arange(n)
    # FeatureExtraction: shared per-point MLP
    h = jax.nn.relu(pcl_noisy @ feat_W1 + feat_b1)
    feat_all = h @ feat_W2 + feat_b2  # (B, Nn, F)
    feat = feat_all[:, pnt_idx, :]    # (1, n, F)
    # knn in xy between sampled noisy points and all noisy points
    q_xy = pcl_noisy[0, pnt_idx, :2]
    neighbor_idx = _knn_idx(q_xy, pcl_noisy[0, :, :2], K)  # (n, K)
    frames = pcl_noisy[0][neighbor_idx]                      # (n, K, 3)
    frames_xy = frames[..., :2]                              # (n, K, 2)
    frames_centered = frames - pcl_noisy[0, pnt_idx][:, None, :]
    # knn of each frame point (xy) against the clean cloud (xy)
    clean_xy = pcl_clean[0, :, :2]
    clean_sq = jnp.sum(clean_xy * clean_xy, axis=-1)[None, :]
    def _body(qk):  # qk: (K, 2)
        d2 = jnp.sum(qk * qk, axis=-1, keepdims=True) - 2.0 * (qk @ clean_xy.T) + clean_sq
        _, idx = jax.lax.top_k(-d2, C)
        return idx
    clean_nbs_idx = jax.lax.map(_body, frames_xy)  # (n, K, C)
    clean_nbs = pcl_clean[0][clean_nbs_idx.reshape(-1)].reshape(1, n, K, C, 3)
    noise_vecs = frames[None, :, :, None, :] - clean_nbs        # (1, n, K, C, 3)
    noise_vecs = noise_vecs[..., 2].reshape(1, n, K, C, 1)      # z-component only
    noise_vecs = noise_vecs.mean(axis=3)                         # (1, n, K, 1)
    # ScoreNet: conditional residual MLP, out_dim=1
    x = frames_centered                                          # (n, K, 3)
    c = jnp.broadcast_to(feat[0][:, None, :], (n, K, FEAT))
    hs = jnp.concatenate([x, c], axis=-1)
    hs = jax.nn.relu(hs @ score_Win + score_bin)
    for i in range(NBLOCKS):
        hs = jax.nn.relu(hs @ score_Wb[i] + score_bb[i]) + hs
    grad_pred = (hs @ score_Wout + score_bout).reshape(1, n, K, 1)
    grad_target = -1.0 * noise_vecs
    loss = 0.5 * (((grad_target - grad_pred) ** 2.0) * (1.0 / DSM_SIGMA)).sum(axis=-1).mean()
    return loss

if __name__ == "__main__":
    import jax
    _d = setup_inputs()
    print(jax.jit(kernel)(*tuple(_d.values())))

</pallas_src>

<mosaic_0001>
#map = affine_map<(d0, d1) -> (0, 0)>
#map1 = affine_map<(d0, d1) -> (0)>
module attributes {stable_mosaic.version = 14 : i64} {
  func.func @_sc_gather_body(%arg0: i32, %arg1: i32, %arg2: memref<50000x128xf32, #tpu.memory_space<hbm>>, %arg3: memref<4096xi32, #tpu.memory_space<hbm>>, %arg4: memref<4096x128xf32, #tpu.memory_space<hbm>>, %arg5: memref<128xi32, #tpu.memory_space<vmem>>, %arg6: memref<128x128xf32, #tpu.memory_space<vmem>>, %arg7: memref<!tpu.dma_semaphore, #tpu.memory_space<semaphore_mem>>) attributes {dimension_semantics = [#tpu.dimension_semantics<core_parallel>, #tpu.dimension_semantics<subcore_parallel>], iteration_bounds = array<i64: 2, 16>, scalar_prefetch = 0 : i64, scratch_operands = 3 : i64, tpu.core_type = #tpu.core_type<sc_vector_subcore>, window_params = [{transform_indices = #map}, {transform_indices = #map1}, {transform_indices = #map}]} {
    %mul3A = arith.constant 2 : i32
    %mul3A_0 = arith.muli %arg1, %mul3A : i32
    %add3A = arith.addi %mul3A_0, %arg0 : i32
    %mul3A_1 = arith.constant 128 : i32
    %mul3A_2 = arith.muli %add3A, %mul3A_1 : i32
    "tpu.region"() ({
      %run_scoped3A = tpu.sem_alloc : memref<!tpu.dma_semaphore, #tpu.memory_space<semaphore_mem>>
      %dma_start3A_7 = tpu.memref_slice %arg3[%mul3A_2] : memref<4096xi32, #tpu.memory_space<hbm>> -> memref<128xi32, #tpu.memory_space<hbm>>
      %dma_start3A_8 = tpu.memref_slice %arg3[%mul3A_2] : memref<4096xi32, #tpu.memory_space<hbm>> -> memref<128xi32, #tpu.memory_space<hbm>>
      tpu.enqueue_dma source(%dma_start3A_8 : memref<128xi32, #tpu.memory_space<hbm>>) target(%arg5 : memref<128xi32, #tpu.memory_space<vmem>>) target_semaphore(%run_scoped3A : memref<!tpu.dma_semaphore, #tpu.memory_space<semaphore_mem>>)
      %dma_wait3A_9 = tpu.memref_slice %arg3[%mul3A_2] : memref<4096xi32, #tpu.memory_space<hbm>> -> memref<128xi32, #tpu.memory_space<hbm>>
      %dma_wait3A_10 = tpu.memref_slice %arg3[%mul3A_2] : memref<4096xi32, #tpu.memory_space<hbm>> -> memref<128xi32, #tpu.memory_space<hbm>>
      tpu.wait_dma2 semaphore(%run_scoped3A : memref<!tpu.dma_semaphore, #tpu.memory_space<semaphore_mem>>) src(%dma_wait3A_10 : memref<128xi32, #tpu.memory_space<hbm>>) dst(%arg5 : memref<128xi32, #tpu.memory_space<vmem>>)
      tpu.yield
    }) : () -> ()
    %dma_start3A = arith.constant 0 : i32
    %dma_start3A_3 = arith.constant 0 : i32
    %dma_start3A_4 = tpu.memref_slice %arg2[%dma_start3A, %dma_start3A_3] : memref<50000x128xf32, #tpu.memory_space<hbm>> -> memref<50000x128xf32, #tpu.memory_space<hbm>>
    tpu.enqueue_indirect_dma source(%dma_start3A_4 : memref<50000x128xf32, #tpu.memory_space<hbm>>) target(%arg6 : memref<128x128xf32, #tpu.memory_space<vmem>>) offsets(%arg5 : memref<128xi32, #tpu.memory_space<vmem>>) semaphore(%arg7 : memref<!tpu.dma_semaphore, #tpu.memory_space<semaphore_mem>>)
    %dma_wait3A = arith.constant 0 : i32
    %dma_wait3A_5 = arith.constant 0 : i32
    %dma_wait3A_6 = tpu.memref_slice %arg2[%dma_wait3A, %dma_wait3A_5] : memref<50000x128xf32, #tpu.memory_space<hbm>> -> memref<50000x128xf32, #tpu.memory_space<hbm>>
    tpu.wait_indirect_dma semaphore(%arg7 : memref<!tpu.dma_semaphore, #tpu.memory_space<semaphore_mem>>) src(%dma_wait3A_6 : memref<50000x128xf32, #tpu.memory_space<hbm>>) dst(%arg6 : memref<128x128xf32, #tpu.memory_space<vmem>>)
    "tpu.region"() ({
      %run_scoped3A = tpu.sem_alloc : memref<!tpu.dma_semaphore, #tpu.memory_space<semaphore_mem>>
      %dma_start3A_7 = arith.constant 0 : i32
      %dma_start3A_8 = tpu.memref_slice %arg4[%mul3A_2, %dma_start3A_7] : memref<4096x128xf32, #tpu.memory_space<hbm>> -> memref<128x128xf32, #tpu.memory_space<hbm>>
      %dma_start3A_9 = arith.constant 0 : i32
      %dma_start3A_10 = tpu.memref_slice %arg4[%mul3A_2, %dma_start3A_9] : memref<4096x128xf32, #tpu.memory_space<hbm>> -> memref<128x128xf32, #tpu.memory_space<hbm>>
      tpu.enqueue_dma source(%arg6 : memref<128x128xf32, #tpu.memory_space<vmem>>) target(%dma_start3A_10 : memref<128x128xf32, #tpu.memory_space<hbm>>) target_semaphore(%run_scoped3A : memref<!tpu.dma_semaphore, #tpu.memory_space<semaphore_mem>>)
      %dma_wait3A_11 = arith.constant 0 : i32
      %dma_wait3A_12 = tpu.memref_slice %arg4[%mul3A_2, %dma_wait3A_11] : memref<4096x128xf32, #tpu.memory_space<hbm>> -> memref<128x128xf32, #tpu.memory_space<hbm>>
      %dma_wait3A_13 = arith.constant 0 : i32
      %dma_wait3A_14 = tpu.memref_slice %arg4[%mul3A_2, %dma_wait3A_13] : memref<4096x128xf32, #tpu.memory_space<hbm>> -> memref<128x128xf32, #tpu.memory_space<hbm>>
      tpu.wait_dma2 semaphore(%run_scoped3A : memref<!tpu.dma_semaphore, #tpu.memory_space<semaphore_mem>>) src(%arg6 : memref<128x128xf32, #tpu.memory_space<vmem>>) dst(%dma_wait3A_14 : memref<128x128xf32, #tpu.memory_space<hbm>>)
      tpu.yield
    }) : () -> ()
    return
  }
}

module attributes {stable_mosaic.version = 14 : i64} {
  func.func @_knn1_body(%arg0: memref<128x8xf32, #tpu.memory_space<vmem>>, %arg1: memref<2x8x25600xf32, #tpu.memory_space<vmem>>, %arg2: memref<128x32xi32, #tpu.memory_space<vmem>>) attributes {dimension_semantics = [], scalar_prefetch = 0 : i64, scratch_operands = 0 : i64, tpu.core_type = #tpu.core_type<tc>} {
    %get3A = arith.constant 0 : index
    %get3A_0 = arith.constant 0 : index
    %get3A_1 = vector.load %arg0[%get3A, %get3A_0] : memref<128x8xf32, #tpu.memory_space<vmem>>, vector<128x8xf32>
    %mul3A = arith.mulf %get3A_1, %get3A_1 : vector<128x8xf32>
    %reduce_sum3A = arith.constant dense<0.000000e+00> : vector<128xf32>
    %reduce_sum3A_2 = vector.multi_reduction <add>, %mul3A, %reduce_sum3A [1] : vector<128x8xf32> to vector<128xf32>
    %broadcast_in_dim3A = vector.shape_cast %reduce_sum3A_2 : vector<128xf32> to vector<128x1xf32>
    %iota3A = tpu.iota {dimensions = array<i32: 1>} : vector<1x64xi32>
    %broadcast_in_dim3A_3 = arith.constant 3.000000e+38 : f32
    %broadcast_in_dim3A_4 = vector.broadcast %broadcast_in_dim3A_3 : f32 to vector<128x64xf32>
    %broadcast_in_dim3A_5 = arith.constant 0 : i32
    %broadcast_in_dim3A_6 = vector.broadcast %broadcast_in_dim3A_5 : i32 to vector<128x64xi32>
    %scan3A = arith.constant 0 : i32
    %scan3A_7 = arith.constant 2 : i32
    %scan3A_8 = arith.addi %scan3A, %scan3A_7 : i32
    %scan3A_9 = arith.constant 1 : i32
    %scan3A_10:2 = scf.for %scan3A_24 = %scan3A to %scan3A_8 step %scan3A_9 iter_args(%scan3A_25 = %broadcast_in_dim3A_4, %scan3A_26 = %broadcast_in_dim3A_6) -> (vector<128x64xf32>, vector<128x64xi32>)  : i32 {
      %get3A_27 = arith.index_cast %scan3A_24 : i32 to index
      %get3A_28 = arith.constant 0 : index
      %get3A_29 = arith.constant 0 : index
      %get3A_30 = vector.load %arg1[%get3A_27, %get3A_28, %get3A_29] : memref<2x8x25600xf32, #tpu.memory_space<vmem>>, vector<1x8x25600xf32>
      %get3A_31 = vector.shape_cast %get3A_30 : vector<1x8x25600xf32> to vector<8x25600xf32>
      %mul3A_32 = arith.mulf %get3A_31, %get3A_31 : vector<8x25600xf32>
      %reduce_sum3A_33 = arith.constant dense<0.000000e+00> : vector<25600xf32>
      %reduce_sum3A_34 = vector.multi_reduction <add>, %mul3A_32, %reduce_sum3A_33 [0] : vector<8x25600xf32> to vector<25600xf32>
      %broadcast_in_dim3A_35 = vector.shape_cast %reduce_sum3A_34 : vector<25600xf32> to vector<1x25600xf32>
      %dot_general3A = arith.constant dense<0.000000e+00> : vector<128x25600xf32>
      %dot_general3A_36 = tpu.matmul %get3A_1, %get3A_31, %dot_general3A {dimension_numbers = #tpu.dot_dimension_numbers<[1], [0], [0], [1], [0, 0, 1, 1], [], []>, transpose_lhs_hint = false} : vector<128x8xf32>, vector<8x25600xf32>, vector<128x25600xf32> -> vector<128x25600xf32>
      %mul3A_37 = arith.constant 2.000000e+00 : f32
      %mul3A_38 = vector.broadcast %mul3A_37 : f32 to vector<128x25600xf32>
      %mul3A_39 = arith.mulf %mul3A_38, %dot_general3A_36 : vector<128x25600xf32>
      %sub3A = vector.broadcast %broadcast_in_dim3A : vector<128x1xf32> to vector<128x25600xf32>
      %sub3A_40 = arith.subf %sub3A, %mul3A_39 : vector<128x25600xf32>
      %add3A = vector.broadcast %broadcast_in_dim3A_35 : vector<1x25600xf32> to vector<128x25600xf32>
      %add3A_41 = arith.addf %sub3A_40, %add3A : vector<128x25600xf32>
      %iota3A_42 = tpu.iota {dimensions = array<i32: 1>} : vector<128x25600xi32>
      %scan3A_43 = arith.constant 0 : i32
      %scan3A_44 = arith.constant 32 : i32
      %scan3A_45 = arith.addi %scan3A_43, %scan3A_44 : i32
      %scan3A_46 = arith.constant 1 : i32
      %scan3A_47:3 = scf.for %scan3A_49 = %scan3A_43 to %scan3A_45 step %scan3A_46 iter_args(%scan3A_50 = %add3A_41, %scan3A_51 = %scan3A_25, %scan3A_52 = %scan3A_26) -> (vector<128x25600xf32>, vector<128x64xf32>, vector<128x64xi32>)  : i32 {
        %reduce_min3A = arith.constant dense<0x7F800000> : vector<128xf32>
        %reduce_min3A_53 = vector.multi_reduction <minimumf>, %scan3A_50, %reduce_min3A [1] : vector<128x25600xf32> to vector<128xf32>
        %broadcast_in_dim3A_54 = vector.shape_cast %reduce_min3A_53 : vector<128xf32> to vector<128x1xf32>
        %eq3A = vector.broadcast %broadcast_in_dim3A_54 : vector<128x1xf32> to vector<128x25600xf32>
        %eq3A_55 = arith.cmpf oeq, %scan3A_50, %eq3A : vector<128x25600xf32>
        %jit3A = arith.constant 1073741824 : i32
        %broadcast_in_dim3A_56 = vector.broadcast %jit3A : i32 to vector<128x25600xi32>
        %select_n3A = arith.select %eq3A_55, %iota3A_42, %broadcast_in_dim3A_56 : vector<128x25600xi1>, vector<128x25600xi32>
        %reduce_min3A_57 = arith.constant dense<2147483647> : vector<128xi32>
        %reduce_min3A_58 = vector.multi_reduction <minsi>, %select_n3A, %reduce_min3A_57 [1] : vector<128x25600xi32> to vector<128xi32>
        %broadcast_in_dim3A_59 = vector.shape_cast %reduce_min3A_58 : vector<128xi32> to vector<128x1xi32>
        %jit3A_60 = arith.constant 3.000000e+38 : f32
        %broadcast_in_dim3A_61 = vector.broadcast %jit3A_60 : f32 to vector<128x25600xf32>
        %select_n3A_62 = arith.select %eq3A_55, %broadcast_in_dim3A_61, %scan3A_50 : vector<128x25600xi1>, vector<128x25600xf32>
        %mul3A_63 = arith.constant 32 : i32
        %mul3A_64 = arith.muli %scan3A_24, %mul3A_63 : i32
        %add3A_65 = arith.addi %mul3A_64, %scan3A_49 : i32
        %eq3A_66 = vector.broadcast %add3A_65 : i32 to vector<1x64xi32>
        %eq3A_67 = arith.cmpi eq, %iota3A, %eq3A_66 : vector<1x64xi32>
        %broadcast_in_dim3A_68 = vector.shape_cast %eq3A_67 : vector<1x64xi1> to vector<1x64xi1>
        %broadcast_in_dim3A_69 = vector.broadcast %broadcast_in_dim3A_68 : vector<1x64xi1> to vector<128x64xi1>
        %broadcast_in_dim3A_70 = vector.shape_cast %broadcast_in_dim3A_54 : vector<128x1xf32> to vector<128x1xf32>
        %broadcast_in_dim3A_71 = vector.broadcast %broadcast_in_dim3A_70 : vector<128x1xf32> to vector<128x64xf32>
        %select_n3A_72 = arith.select %broadcast_in_dim3A_69, %broadcast_in_dim3A_71, %scan3A_51 : vector<128x64xi1>, vector<128x64xf32>
        %mul3A_73 = arith.constant 25600 : i32
        %mul3A_74 = arith.muli %scan3A_24, %mul3A_73 : i32
        %add3A_75 = vector.broadcast %mul3A_74 : i32 to vector<128x1xi32>
        %add3A_76 = arith.addi %broadcast_in_dim3A_59, %add3A_75 : vector<128x1xi32>
        %broadcast_in_dim3A_77 = vector.shape_cast %eq3A_67 : vector<1x64xi1> to vector<1x64xi1>
        %broadcast_in_dim3A_78 = vector.broadcast %broadcast_in_dim3A_77 : vector<1x64xi1> to vector<128x64xi1>
        %broadcast_in_dim3A_79 = vector.shape_cast %add3A_76 : vector<128x1xi32> to vector<128x1xi32>
        %broadcast_in_dim3A_80 = vector.broadcast %broadcast_in_dim3A_79 : vector<128x1xi32> to vector<128x64xi32>
        %select_n3A_81 = arith.select %broadcast_in_dim3A_78, %broadcast_in_dim3A_80, %scan3A_52 : vector<128x64xi1>, vector<128x64xi32>
        scf.yield %select_n3A_62, %select_n3A_72, %select_n3A_81 : vector<128x25600xf32>, vector<128x64xf32>, vector<128x64xi32>
      }
      %scan3A_48 = arith.constant 32 : i32
      scf.yield %scan3A_47#1, %scan3A_47#2 : vector<128x64xf32>, vector<128x64xi32>
    }
    %scan3A_11 = arith.constant 2 : i32
    %iota3A_12 = tpu.iota {dimensions = array<i32: 1>} : vector<128x64xi32>
    %iota3A_13 = tpu.iota {dimensions = array<i32: 1>} : vector<1x32xi32>
    %broadcast_in_dim3A_14 = arith.constant 0 : i32
    %broadcast_in_dim3A_15 = vector.broadcast %broadcast_in_dim3A_14 : i32 to vector<128x32xi32>
    %scan3A_16 = arith.constant 0 : i32
    %scan3A_17 = arith.constant 32 : i32
    %scan3A_18 = arith.addi %scan3A_16, %scan3A_17 : i32
    %scan3A_19 = arith.constant 1 : i32
    %scan3A_20:2 = scf.for %scan3A_24 = %scan3A_16 to %scan3A_18 step %scan3A_19 iter_args(%scan3A_25 = %scan3A_10#0, %scan3A_26 = %broadcast_in_dim3A_15) -> (vector<128x64xf32>, vector<128x32xi32>)  : i32 {
      %reduce_min3A = arith.constant dense<0x7F800000> : vector<128xf32>
      %reduce_min3A_27 = vector.multi_reduction <minimumf>, %scan3A_25, %reduce_min3A [1] : vector<128x64xf32> to vector<128xf32>
      %broadcast_in_dim3A_28 = vector.shape_cast %reduce_min3A_27 : vector<128xf32> to vector<128x1xf32>
      %eq3A = vector.broadcast %broadcast_in_dim3A_28 : vector<128x1xf32> to vector<128x64xf32>
      %eq3A_29 = arith.cmpf oeq, %scan3A_25, %eq3A : vector<128x64xf32>
      %jit3A = arith.constant 1073741824 : i32
      %broadcast_in_dim3A_30 = vector.broadcast %jit3A : i32 to vector<128x64xi32>
      %select_n3A = arith.select %eq3A_29, %iota3A_12, %broadcast_in_dim3A_30 : vector<128x64xi1>, vector<128x64xi32>
      %reduce_min3A_31 = arith.constant dense<2147483647> : vector<128xi32>
      %reduce_min3A_32 = vector.multi_reduction <minsi>, %select_n3A, %reduce_min3A_31 [1] : vector<128x64xi32> to vector<128xi32>
      %broadcast_in_dim3A_33 = vector.shape_cast %reduce_min3A_32 : vector<128xi32> to vector<128x1xi32>
      %eq3A_34 = vector.broadcast %broadcast_in_dim3A_33 : vector<128x1xi32> to vector<128x64xi32>
      %eq3A_35 = arith.cmpi eq, %iota3A_12, %eq3A_34 : vector<128x64xi32>
      %jit3A_36 = arith.constant 0 : i32
      %broadcast_in_dim3A_37 = vector.broadcast %jit3A_36 : i32 to vector<128x64xi32>
      %select_n3A_38 = arith.select %eq3A_35, %scan3A_10#1, %broadcast_in_dim3A_37 : vector<128x64xi1>, vector<128x64xi32>
      %reduce_sum3A_39 = arith.constant dense<0> : vector<128xi32>
      %reduce_sum3A_40 = vector.multi_reduction <add>, %select_n3A_38, %reduce_sum3A_39 [1] : vector<128x64xi32> to vector<128xi32>
      %broadcast_in_dim3A_41 = vector.shape_cast %reduce_sum3A_40 : vector<128xi32> to vector<128x1xi32>
      %eq3A_42 = vector.broadcast %scan3A_24 : i32 to vector<1x32xi32>
      %eq3A_43 = arith.cmpi eq, %iota3A_13, %eq3A_42 : vector<1x32xi32>
      %broadcast_in_dim3A_44 = vector.shape_cast %eq3A_43 : vector<1x32xi1> to vector<1x32xi1>
      %broadcast_in_dim3A_45 = vector.broadcast %broadcast_in_dim3A_44 : vector<1x32xi1> to vector<128x32xi1>
      %broadcast_in_dim3A_46 = vector.shape_cast %broadcast_in_dim3A_41 : vector<128x1xi32> to vector<128x1xi32>
      %broadcast_in_dim3A_47 = vector.broadcast %broadcast_in_dim3A_46 : vector<128x1xi32> to vector<128x32xi32>
      %select_n3A_48 = arith.select %broadcast_in_dim3A_45, %broadcast_in_dim3A_47, %scan3A_26 : vector<128x32xi1>, vector<128x32xi32>
      %jit3A_49 = arith.constant 3.000000e+38 : f32
      %broadcast_in_dim3A_50 = vector.broadcast %jit3A_49 : f32 to vector<128x64xf32>
      %select_n3A_51 = arith.select %eq3A_35, %broadcast_in_dim3A_50, %scan3A_25 : vector<128x64xi1>, vector<128x64xf32>
      scf.yield %select_n3A_51, %select_n3A_48 : vector<128x64xf32>, vector<128x32xi32>
    }
    %scan3A_21 = arith.constant 32 : i32
    %swap3A = arith.constant 0 : index
    %swap3A_22 = arith.constant 0 : index
    %swap3A_23 = vector.load %arg2[%swap3A, %swap3A_22] : memref<128x32xi32, #tpu.memory_space<vmem>>, vector<128x32xi32>
    tpu.vector_store %arg2[%swap3A, %swap3A_22], %scan3A_20#1 {strides = array<i32>} : memref<128x32xi32, #tpu.memory_space<vmem>>, vector<128x32xi32>,
    return
  }
}

module attributes {stable_mosaic.version = 14 : i64} {
  func.func @_knn2_body(%arg0: i32, %arg1: memref<512x8xf32, #tpu.memory_space<vmem>>, %arg2: memref<8x8x6528xf32, #tpu.memory_space<vmem>>, %arg3: memref<512x1xf32, #tpu.memory_space<vmem>>) attributes {dimension_semantics = [#tpu.dimension_semantics<arbitrary>], iteration_bounds = array<i64: 8>, scalar_prefetch = 0 : i64, scratch_operands = 0 : i64, tpu.core_type = #tpu.core_type<tc>, window_params = [{transform_indices = @transform_0, window_bounds = array<i64: 512, 8>}, {pipeline_mode = #tpu.pipeline_mode<synchronous>, transform_indices = @transform_1, window_bounds = array<i64: 8, 8, 6528>}, {transform_indices = @transform_2, window_bounds = array<i64: 512, 1>}]} {
    %get3A = arith.constant 0 : index
    %get3A_0 = arith.constant 0 : index
    %get3A_1 = vector.load %arg1[%get3A, %get3A_0] : memref<512x8xf32, #tpu.memory_space<vmem>>, vector<512x8xf32>
    %mul3A = arith.mulf %get3A_1, %get3A_1 : vector<512x8xf32>
    %reduce_sum3A = arith.constant dense<0.000000e+00> : vector<512xf32>
    %reduce_sum3A_2 = vector.multi_reduction <add>, %mul3A, %reduce_sum3A [1] : vector<512x8xf32> to vector<512xf32>
    %broadcast_in_dim3A = vector.shape_cast %reduce_sum3A_2 : vector<512xf32> to vector<512x1xf32>
    %broadcast_in_dim3A_3 = arith.constant 3.000000e+38 : f32
    %broadcast_in_dim3A_4 = vector.broadcast %broadcast_in_dim3A_3 : f32 to vector<512x128xf32>
    %broadcast_in_dim3A_5 = arith.constant 0.000000e+00 : f32
    %broadcast_in_dim3A_6 = vector.broadcast %broadcast_in_dim3A_5 : f32 to vector<512x128xf32>
    %scan3A = arith.constant 0 : i32
    %scan3A_7 = arith.constant 8 : i32
    %scan3A_8 = arith.addi %scan3A, %scan3A_7 : i32
    %scan3A_9 = arith.constant 1 : i32
    %scan3A_10:8 = scf.for %scan3A_25 = %scan3A to %scan3A_8 step %scan3A_9 iter_args(%scan3A_26 = %broadcast_in_dim3A_4, %scan3A_27 = %broadcast_in_dim3A_4, %scan3A_28 = %broadcast_in_dim3A_4, %scan3A_29 = %broadcast_in_dim3A_4, %scan3A_30 = %broadcast_in_dim3A_6, %scan3A_31 = %broadcast_in_dim3A_6, %scan3A_32 = %broadcast_in_dim3A_6, %scan3A_33 = %broadcast_in_dim3A_6) -> (vector<512x128xf32>, vector<512x128xf32>, vector<512x128xf32>, vector<512x128xf32>, vector<512x128xf32>, vector<512x128xf32>, vector<512x128xf32>, vector<512x128xf32>)  : i32 {
      %get3A_34 = arith.index_cast %scan3A_25 : i32 to index
      %get3A_35 = arith.constant 0 : index
      %get3A_36 = arith.constant 0 : index
      %get3A_37 = vector.load %arg2[%get3A_34, %get3A_35, %get3A_36] : memref<8x8x6528xf32, #tpu.memory_space<vmem>>, vector<1x8x6528xf32>
      %get3A_38 = vector.shape_cast %get3A_37 : vector<1x8x6528xf32> to vector<8x6528xf32>
      %slice3A = vector.extract_strided_slice %get3A_38 {offsets = [0, 0], sizes = [2, 6528], strides = [1, 1]} : vector<8x6528xf32> to vector<2x6528xf32>
      %mul3A_39 = arith.mulf %slice3A, %slice3A : vector<2x6528xf32>
      %reduce_sum3A_40 = arith.constant dense<0.000000e+00> : vector<6528xf32>
      %reduce_sum3A_41 = vector.multi_reduction <add>, %mul3A_39, %reduce_sum3A_40 [0] : vector<2x6528xf32> to vector<6528xf32>
      %broadcast_in_dim3A_42 = vector.shape_cast %reduce_sum3A_41 : vector<6528xf32> to vector<1x6528xf32>
      %slice3A_43 = vector.extract_strided_slice %get3A_38 {offsets = [2, 0], sizes = [1, 6528], strides = [1, 1]} : vector<8x6528xf32> to vector<1x6528xf32>
      %dot_general3A = arith.constant dense<0.000000e+00> : vector<512x6528xf32>
      %dot_general3A_44 = tpu.matmul %get3A_1, %get3A_38, %dot_general3A {dimension_numbers = #tpu.dot_dimension_numbers<[1], [0], [0], [1], [0, 0, 1, 1], [], []>, transpose_lhs_hint = false} : vector<512x8xf32>, vector<8x6528xf32>, vector<512x6528xf32> -> vector<512x6528xf32>
      %mul3A_45 = arith.constant 2.000000e+00 : f32
      %mul3A_46 = vector.broadcast %mul3A_45 : f32 to vector<512x6528xf32>
      %mul3A_47 = arith.mulf %mul3A_46, %dot_general3A_44 : vector<512x6528xf32>
      %sub3A = vector.broadcast %broadcast_in_dim3A : vector<512x1xf32> to vector<512x6528xf32>
      %sub3A_48 = arith.subf %sub3A, %mul3A_47 : vector<512x6528xf32>
      %add3A = vector.broadcast %broadcast_in_dim3A_42 : vector<1x6528xf32> to vector<512x6528xf32>
      %add3A_49 = arith.addf %sub3A_48, %add3A : vector<512x6528xf32>
      %slice3A_50 = vector.extract_strided_slice %add3A_49 {offsets = [0, 0], sizes = [512, 128], strides = [1, 1]} : vector<512x6528xf32> to vector<512x128xf32>
      %slice3A_51 = vector.extract_strided_slice %slice3A_43 {offsets = [0, 0], sizes = [1, 128], strides = [1, 1]} : vector<1x6528xf32> to vector<1x128xf32>
      %lt3A = arith.cmpf olt, %slice3A_50, %scan3A_26 : vector<512x128xf32>
      %select_n3A = arith.select %lt3A, %slice3A_50, %scan3A_26 : vector<512x128xi1>, vector<512x128xf32>
      %broadcast_in_dim3A_52 = vector.shape_cast %slice3A_51 : vector<1x128xf32> to vector<1x128xf32>
      %broadcast_in_dim3A_53 = vector.broadcast %broadcast_in_dim3A_52 : vector<1x128xf32> to vector<512x128xf32>
      %select_n3A_54 = arith.select %lt3A, %broadcast_in_dim3A_53, %scan3A_30 : vector<512x128xi1>, vector<512x128xf32>
      %select_n3A_55 = arith.select %lt3A, %scan3A_26, %slice3A_50 : vector<512x128xi1>, vector<512x128xf32>
      %broadcast_in_dim3A_56 = vector.shape_cast %slice3A_51 : vector<1x128xf32> to vector<1x128xf32>
      %broadcast_in_dim3A_57 = vector.broadcast %broadcast_in_dim3A_56 : vector<1x128xf32> to vector<512x128xf32>
      %select_n3A_58 = arith.select %lt3A, %scan3A_30, %broadcast_in_dim3A_57 : vector<512x128xi1>, vector<512x128xf32>
      %lt3A_59 = arith.cmpf olt, %select_n3A_55, %scan3A_27 : vector<512x128xf32>
      %select_n3A_60 = arith.select %lt3A_59, %select_n3A_55, %scan3A_27 : vector<512x128xi1>, vector<512x128xf32>
      %select_n3A_61 = arith.select %lt3A_59, %select_n3A_58, %scan3A_31 : vector<512x128xi1>, vector<512x128xf32>
      %select_n3A_62 = arith.select %lt3A_59, %scan3A_27, %select_n3A_55 : vector<512x128xi1>, vector<512x128xf32>
      %select_n3A_63 = arith.select %lt3A_59, %scan3A_31, %select_n3A_58 : vector<512x128xi1>, vector<512x128xf32>
      %lt3A_64 = arith.cmpf olt, %select_n3A_62, %scan3A_28 : vector<512x128xf32>
      %select_n3A_65 = arith.select %lt3A_64, %select_n3A_62, %scan3A_28 : vector<512x128xi1>, vector<512x128xf32>
      %select_n3A_66 = arith.select %lt3A_64, %select_n3A_63, %scan3A_32 : vector<512x128xi1>, vector<512x128xf32>
      %select_n3A_67 = arith.select %lt3A_64, %scan3A_28, %select_n3A_62 : vector<512x128xi1>, vector<512x128xf32>
      %select_n3A_68 = arith.select %lt3A_64, %scan3A_32, %select_n3A_63 : vector<512x128xi1>, vector<512x128xf32>
      %lt3A_69 = arith.cmpf olt, %select_n3A_67, %scan3A_29 : vector<512x128xf32>
      %select_n3A_70 = arith.select %lt3A_69, %select_n3A_67, %scan3A_29 : vector<512x128xi1>, vector<512x128xf32>
      %select_n3A_71 = arith.select %lt3A_69, %select_n3A_68, %scan3A_33 : vector<512x128xi1>, vector<512x128xf32>
      %slice3A_72 = vector.extract_strided_slice %add3A_49 {offsets = [0, 128], sizes = [512, 128], strides = [1, 1]} : vector<512x6528xf32> to vector<512x128xf32>
      %slice3A_73 = vector.extract_strided_slice %slice3A_43 {offsets = [0, 128], sizes = [1, 128], strides = [1, 1]} : vector<1x6528xf32> to vector<1x128xf32>
      %lt3A_74 = arith.cmpf olt, %slice3A_72, %select_n3A : vector<512x128xf32>
      %select_n3A_75 = arith.select %lt3A_74, %slice3A_72, %select_n3A : vector<512x128xi1>, vector<512x128xf32>
      %broadcast_in_dim3A_76 = vector.shape_cast %slice3A_73 : vector<1x128xf32> to vector<1x128xf32>
      %broadcast_in_dim3A_77 = vector.broadcast %broadcast_in_dim3A_76 : vector<1x128xf32> to vector<512x128xf32>
      %select_n3A_78 = arith.select %lt3A_74, %broadcast_in_dim3A_77, %select_n3A_54 : vector<512x128xi1>, vector<512x128xf32>
      %select_n3A_79 = arith.select %lt3A_74, %select_n3A, %slice3A_72 : vector<512x128xi1>, vector<512x128xf32>
      %broadcast_in_dim3A_80 = vector.shape_cast %slice3A_73 : vector<1x128xf32> to vector<1x128xf32>
      %broadcast_in_dim3A_81 = vector.broadcast %broadcast_in_dim3A_80 : vector<1x128xf32> to vector<512x128xf32>
      %select_n3A_82 = arith.select %lt3A_74, %select_n3A_54, %broadcast_in_dim3A_81 : vector<512x128xi1>, vector<512x128xf32>
      %lt3A_83 = arith.cmpf olt, %select_n3A_79, %select_n3A_60 : vector<512x128xf32>
      %select_n3A_84 = arith.select %lt3A_83, %select_n3A_79, %select_n3A_60 : vector<512x128xi1>, vector<512x128xf32>
      %select_n3A_85 = arith.select %lt3A_83, %select_n3A_82, %select_n3A_61 : vector<512x128xi1>, vector<512x128xf32>
      %select_n3A_86 = arith.select %lt3A_83, %select_n3A_60, %select_n3A_79 : vector<512x128xi1>, vector<512x128xf32>
      %select_n3A_87 = arith.select %lt3A_83, %select_n3A_61, %select_n3A_82 : vector<512x128xi1>, vector<512x128xf32>
      %lt3A_88 = arith.cmpf olt, %select_n3A_86, %select_n3A_65 : vector<512x128xf32>
      %select_n3A_89 = arith.select %lt3A_88, %select_n3A_86, %select_n3A_65 : vector<512x128xi1>, vector<512x128xf32>
      %select_n3A_90 = arith.select %lt3A_88, %select_n3A_87, %select_n3A_66 : vector<512x128xi1>, vector<512x128xf32>
      %select_n3A_91 = arith.select %lt3A_88, %select_n3A_65, %select_n3A_86 : vector<512x128xi1>, vector<512x128xf32>
      %select_n3A_92 = arith.select %lt3A_88, %select_n3A_66, %select_n3A_87 : vector<512x128xi1>, vector<512x128xf32>
      %lt3A_93 = arith.cmpf olt, %select_n3A_91, %select_n3A_70 : vector<512x128xf32>
      %select_n3A_94 = arith.select %lt3A_93, %select_n3A_91, %select_n3A_70 : vector<512x128xi1>, vector<512x128xf32>
      %select_n3A_95 = arith.select %lt3A_93, %select_n3A_92, %select_n3A_71 : vector<512x128xi1>, vector<512x128xf32>
      %slice3A_96 = vector.extract_strided_slice %add3A_49 {offsets = [0, 256], sizes = [512, 128], strides = [1, 1]} : vector<512x6528xf32> to vector<512x128xf32>
      %slice3A_97 = vector.extract_strided_slice %slice3A_43 {offsets = [0, 256], sizes = [1, 128], strides = [1, 1]} : vector<1x6528xf32> to vector<1x128xf32>
      %lt3A_98 = arith.cmpf olt, %slice3A_96, %select_n3A_75 : vector<512x128xf32>
      %select_n3A_99 = arith.select %lt3A_98, %slice3A_96, %select_n3A_75 : vector<512x128xi1>, vector<512x128xf32>
      %broadcast_in_dim3A_100 = vector.shape_cast %slice3A_97 : vector<1x128xf32> to vector<1x128xf32>
      %broadcast_in_dim3A_101 = vector.broadcast %broadcast_in_dim3A_100 : vector<1x128xf32> to vector<512x128xf32>
      %select_n3A_102 = arith.select %lt3A_98, %broadcast_in_dim3A_101, %select_n3A_78 : vector<512x128xi1>, vector<512x128xf32>
      %select_n3A_103 = arith.select %lt3A_98, %select_n3A_75, %slice3A_96 : vector<512x128xi1>, vector<512x128xf32>
      %broadcast_in_dim3A_104 = vector.shape_cast %slice3A_97 : vector<1x128xf32> to vector<1x128xf32>
      %broadcast_in_dim3A_105 = vector.broadcast %broadcast_in_dim3A_104 : vector<1x128xf32> to vector<512x128xf32>
      %select_n3A_106 = arith.select %lt3A_98, %select_n3A_78, %broadcast_in_dim3A_105 : vector<512x128xi1>, vector<512x128xf32>
      %lt3A_107 = arith.cmpf olt, %select_n3A_103, %select_n3A_84 : vector<512x128xf32>
      %select_n3A_108 = arith.select %lt3A_107, %select_n3A_103, %select_n3A_84 : vector<512x128xi1>, vector<512x128xf32>
      %select_n3A_109 = arith.select %lt3A_107, %select_n3A_106, %select_n3A_85 : vector<512x128xi1>, vector<512x128xf32>
      %select_n3A_110 = arith.select %lt3A_107, %select_n3A_84, %select_n3A_103 : vector<512x128xi1>, vector<512x128xf32>
      %select_n3A_111 = arith.select %lt3A_107, %select_n3A_85, %select_n3A_106 : vector<512x128xi1>, vector<512x128xf32>
      %lt3A_112 = arith.cmpf olt, %select_n3A_110, %select_n3A_89 : vector<512x128xf32>
      %select_n3A_113 = arith.select %lt3A_112, %select_n3A_110, %select_n3A_89 : vector<512x128xi1>, vector<512x128xf32>
      %select_n3A_114 = arith.select %lt3A_112, %select_n3A_111, %select_n3A_90 : vector<512x128xi1>, vector<512x128xf32>
      %select_n3A_115 = arith.select %lt3A_112, %select_n3A_89, %select_n3A_110 : vector<512x128xi1>, vector<512x128xf32>
      %select_n3A_116 = arith.select %lt3A_112, %select_n3A_90, %select_n3A_111 : vector<512x128xi1>, vector<512x128xf32>
      %lt3A_117 = arith.cmpf olt, %select_n3A_115, %select_n3A_94 : vector<512x128xf32>
      %select_n3A_118 = arith.select %lt3A_117, %select_n3A_115, %select_n3A_94 : vector<512x128xi1>, vector<512x128xf32>
      %select_n3A_119 = arith.select %lt3A_117, %select_n3A_116, %select_n3A_95 : vector<512x128xi1>, vector<512x128xf32>
      %slice3A_120 = vector.extract_strided_slice %add3A_49 {offsets = [0, 384], sizes = [512, 128], strides = [1, 1]} : vector<512x6528xf32> to vector<512x128xf32>
      %slice3A_121 = vector.extract_strided_slice %slice3A_43 {offsets = [0, 384], sizes = [1, 128], strides = [1, 1]} : vector<1x6528xf32> to vector<1x128xf32>
      %lt3A_122 = arith.cmpf olt, %slice3A_120, %select_n3A_99 : vector<512x128xf32>
      %select_n3A_123 = arith.select %lt3A_122, %slice3A_120, %select_n3A_99 : vector<512x128xi1>, vector<512x128xf32>
      %broadcast_in_dim3A_124 = vector.shape_cast %slice3A_121 : vector<1x128xf32> to vector<1x128xf32>
      %broadcast_in_dim3A_125 = vector.broadcast %broadcast_in_dim3A_124 : vector<1x128xf32> to vector<512x128xf32>
      %select_n3A_126 = arith.select %lt3A_122, %broadcast_in_dim3A_125, %select_n3A_102 : vector<512x128xi1>, vector<512x128xf32>
      %select_n3A_127 = arith.select %lt3A_122, %select_n3A_99, %slice3A_120 : vector<512x128xi1>, vector<512x128xf32>
      %broadcast_in_dim3A_128 = vector.shape_cast %slice3A_121 : vector<1x128xf32> to vector<1x128xf32>
      %broadcast_in_dim3A_129 = vector.broadcast %broadcast_in_dim3A_128 : vector<1x128xf32> to vector<512x128xf32>
      %select_n3A_130 = arith.select %lt3A_122, %select_n3A_102, %broadcast_in_dim3A_129 : vector<512x128xi1>, vector<512x128xf32>
      %lt3A_131 = arith.cmpf olt, %select_n3A_127, %select_n3A_108 : vector<512x128xf32>
      %select_n3A_132 = arith.select %lt3A_131, %select_n3A_127, %select_n3A_108 : vector<512x128xi1>, vector<512x128xf32>
      %select_n3A_133 = arith.select %lt3A_131, %select_n3A_130, %select_n3A_109 : vector<512x128xi1>, vector<512x128xf32>
      %select_n3A_134 = arith.select %lt3A_131, %select_n3A_108, %select_n3A_127 : vector<512x128xi1>, vector<512x128xf32>
      %select_n3A_135 = arith.select %lt3A_131, %select_n3A_109, %select_n3A_130 : vector<512x128xi1>, vector<512x128xf32>
      %lt3A_136 = arith.cmpf olt, %select_n3A_134, %select_n3A_113 : vector<512x128xf32>
      %select_n3A_137 = arith.select %lt3A_136, %select_n3A_134, %select_n3A_113 : vector<512x128xi1>, vector<512x128xf32>
      %select_n3A_138 = arith.select %lt3A_136, %select_n3A_135, %select_n3A_114 : vector<512x128xi1>, vector<512x128xf32>
      %select_n3A_139 = arith.select %lt3A_136, %select_n3A_113, %select_n3A_134 : vector<512x128xi1>, vector<512x128xf32>
      %select_n3A_140 = arith.select %lt3A_136, %select_n3A_114, %select_n3A_135 : vector<512x128xi1>, vector<512x128xf32>
      %lt3A_141 = arith.cmpf olt, %select_n3A_139, %select_n3A_118 : vector<512x128xf32>
      %select_n3A_142 = arith.select %lt3A_141, %select_n3A_139, %select_n3A_118 : vector<512x128xi1>, vector<512x128xf32>
      %select_n3A_143 = arith.select %lt3A_141, %select_n3A_140, %select_n3A_119 : vector<512x128xi1>, vector<512x128xf32>
      %slice3A_144 = vector.extract_strided_slice %add3A_49 {offsets = [0, 512], sizes = [512, 128], strides = [1, 1]} : vector<512x6528xf32> to vector<512x128xf32>
      %slice3A_145 = vector.extract_strided_slice %slice3A_43 {offsets = [0, 512], sizes = [1, 128], strides = [1, 1]} : vector<1x6528xf32> to vector<1x128xf32>
      %lt3A_146 = arith.cmpf olt, %slice3A_144, %select_n3A_123 : vector<512x128xf32>
      %select_n3A_147 = arith.select %lt3A_146, %slice3A_144, %select_n3A_123 : vector<512x128xi1>, vector<512x128xf32>
      %broadcast_in_dim3A_148 = vector.shape_cast %slice3A_145 : vector<1x128xf32> to vector<1x128xf32>
      %broadcast_in_dim3A_149 = vector.broadcast %broadcast_in_dim3A_148 : vector<1x128xf32> to vector<512x128xf32>
      %select_n3A_150 = arith.select %lt3A_146, %broadcast_in_dim3A_149, %select_n3A_126 : vector<512x128xi1>, vector<512x128xf32>
      %select_n3A_151 = arith.select %lt3A_146, %select_n3A_123, %slice3A_144 : vector<512x128xi1>, vector<512x128xf32>
      %broadcast_in_dim3A_152 = vector.shape_cast %slice3A_145 : vector<1x128xf32> to vector<1x128xf32>
      %broadcast_in_dim3A_153 = vector.broadcast %broadcast_in_dim3A_152 : vector<1x128xf32> to vector<512x128xf32>
      %select_n3A_154 = arith.select %lt3A_146, %select_n3A_126, %broadcast_in_dim3A_153 : vector<512x128xi1>, vector<512x128xf32>
      %lt3A_155 = arith.cmpf olt, %select_n3A_151, %select_n3A_132 : vector<512x128xf32>
      %select_n3A_156 = arith.select %lt3A_155, %select_n3A_151, %select_n3A_132 : vector<512x128xi1>, vector<512x128xf32>
      %select_n3A_157 = arith.select %lt3A_155, %select_n3A_154, %select_n3A_133 : vector<512x128xi1>, vector<512x128xf32>
      %select_n3A_158 = arith.select %lt3A_155, %select_n3A_132, %select_n3A_151 : vector<512x128xi1>, vector<512x128xf32>
      %select_n3A_159 = arith.select %lt3A_155, %select_n3A_133, %select_n3A_154 : vector<512x128xi1>, vector<512x128xf32>
      %lt3A_160 = arith.cmpf olt, %select_n3A_158, %select_n3A_137 : vector<512x128xf32>
      %select_n3A_161 = arith.select %lt3A_160, %select_n3A_158, %select_n3A_137 : vector<512x128xi1>, vector<512x128xf32>
      %select_n3A_162 = arith.select %lt3A_160, %select_n3A_159, %select_n3A_138 : vector<512x128xi1>, vector<512x128xf32>
      %select_n3A_163 = arith.select %lt3A_160, %select_n3A_137, %select_n3A_158 : vector<512x128xi1>, vector<512x128xf32>
      %select_n3A_164 = arith.select %lt3A_160, %select_n3A_138, %select_n3A_159 : vector<512x128xi1>, vector<512x128xf32>
      %lt3A_165 = arith.cmpf olt, %select_n3A_163, %select_n3A_142 : vector<512x128xf32>
      %select_n3A_166 = arith.select %lt3A_165, %select_n3A_163, %select_n3A_142 : vector<512x128xi1>, vector<512x128xf32>
      %select_n3A_167 = arith.select %lt3A_165, %select_n3A_164, %select_n3A_143 : vector<512x128xi1>, vector<512x128xf32>
      %slice3A_168 = vector.extract_strided_slice %add3A_49 {offsets = [0, 640], sizes = [512, 128], strides = [1, 1]} : vector<512x6528xf32> to vector<512x128xf32>
      %slice3A_169 = vector.extract_strided_slice %slice3A_43 {offsets = [0, 640], sizes = [1, 128], strides = [1, 1]} : vector<1x6528xf32> to vector<1x128xf32>
      %lt3A_170 = arith.cmpf olt, %slice3A_168, %select_n3A_147 : vector<512x128xf32>
      %select_n3A_171 = arith.select %lt3A_170, %slice3A_168, %select_n3A_147 : vector<512x128xi1>, vector<512x128xf32>
      %broadcast_in_dim3A_172 = vector.shape_cast %slice3A_169 : vector<1x128xf32> to vector<1x128xf32>
      %broadcast_in_dim3A_173 = vector.broadcast %broadcast_in_dim3A_172 : vector<1x128xf32> to vector<512x128xf32>
      %select_n3A_174 = arith.select %lt3A_170, %broadcast_in_dim3A_173, %select_n3A_150 : vector<512x128xi1>, vector<512x128xf32>
      %select_n3A_175 = arith.select %lt3A_170, %select_n3A_147, %slice3A_168 : vector<512x128xi1>, vector<512x128xf32>
      %broadcast_in_dim3A_176 = vector.shape_cast %slice3A_169 : vector<1x128xf32> to vector<1x128xf32>
      %broadcast_in_dim3A_177 = vector.broadcast %broadcast_in_dim3A_176 : vector<1x128xf32> to vector<512x128xf32>
      %select_n3A_178 = arith.select %lt3A_170, %select_n3A_150, %broadcast_in_dim3A_177 : vector<512x128xi1>, vector<512x128xf32>
      %lt3A_179 = arith.cmpf olt, %select_n3A_175, %select_n3A_156 : vector<512x128xf32>
      %select_n3A_180 = arith.select %lt3A_179, %select_n3A_175, %select_n3A_156 : vector<512x128xi1>, vector<512x128xf32>
      %select_n3A_181 = arith.select %lt3A_179, %select_n3A_178, %select_n3A_157 : vector<512x128xi1>, vector<512x128xf32>
      %select_n3A_182 = arith.select %lt3A_179, %select_n3A_156, %select_n3A_175 : vector<512x128xi1>, vector<512x128xf32>
      %select_n3A_183 = arith.select %lt3A_179, %select_n3A_157, %select_n3A_178 : vector<512x128xi1>, vector<512x128xf32>
      %lt3A_184 = arith.cmpf olt, %select_n3A_182, %select_n3A_161 : vector<512x128xf32>
      %select_n3A_185 = arith.select %lt3A_184, %select_n3A_182, %select_n3A_161 : vector<512x128xi1>, vector<512x128xf32>
      %select_n3A_186 = arith.select %lt3A_184, %select_n3A_183, %select_n3A_162 : vector<512x128xi1>, vector<512x128xf32>
      %select_n3A_187 = arith.select %lt3A_184, %select_n3A_161, %select_n3A_182 : vector<512x128xi1>, vector<512x128xf32>
      %select_n3A_188 = arith.select %lt3A_184, %select_n3A_162, %select_n3A_183 : vector<512x128xi1>, vector<512x128xf32>
      %lt3A_189 = arith.cmpf olt, %select_n3A_187, %select_n3A_166 : vector<512x128xf32>
      %select_n3A_190 = arith.select %lt3A_189, %select_n3A_187, %select_n3A_166 : vector<512x128xi1>, vector<512x128xf32>
      %select_n3A_191 = arith.select %lt3A_189, %select_n3A_188, %select_n3A_167 : vector<512x128xi1>, vector<512x128xf32>
      %slice3A_192 = vector.extract_strided_slice %add3A_49 {offsets = [0, 768], sizes = [512, 128], strides = [1, 1]} : vector<512x6528xf32> to vector<512x128xf32>
      %slice3A_193 = vector.extract_strided_slice %slice3A_43 {offsets = [0, 768], sizes = [1, 128], strides = [1, 1]} : vector<1x6528xf32> to vector<1x128xf32>
      %lt3A_194 = arith.cmpf olt, %slice3A_192, %select_n3A_171 : vector<512x128xf32>
      %select_n3A_195 = arith.select %lt3A_194, %slice3A_192, %select_n3A_171 : vector<512x128xi1>, vector<512x128xf32>
      %broadcast_in_dim3A_196 = vector.shape_cast %slice3A_193 : vector<1x128xf32> to vector<1x128xf32>
      %broadcast_in_dim3A_197 = vector.broadcast %broadcast_in_dim3A_196 : vector<1x128xf32> to vector<512x128xf32>
      %select_n3A_198 = arith.select %lt3A_194, %broadcast_in_dim3A_197, %select_n3A_174 : vector<512x128xi1>, vector<512x128xf32>
      %select_n3A_199 = arith.select %lt3A_194, %select_n3A_171, %slice3A_192 : vector<512x128xi1>, vector<512x128xf32>
      %broadcast_in_dim3A_200 = vector.shape_cast %slice3A_193 : vector<1x128xf32> to vector<1x128xf32>
      %broadcast_in_dim3A_201 = vector.broadcast %broadcast_in_dim3A_200 : vector<1x128xf32> to vector<512x128xf32>
      %select_n3A_202 = arith.select %lt3A_194, %select_n3A_174, %broadcast_in_dim3A_201 : vector<512x128xi1>, vector<512x128xf32>
      %lt3A_203 = arith.cmpf olt, %select_n3A_199, %select_n3A_180 : vector<512x128xf32>
      %select_n3A_204 = arith.select %lt3A_203, %select_n3A_199, %select_n3A_180 : vector<512x128xi1>, vector<512x128xf32>
      %select_n3A_205 = arith.select %lt3A_203, %select_n3A_202, %select_n3A_181 : vector<512x128xi1>, vector<512x128xf32>
      %select_n3A_206 = arith.select %lt3A_203, %select_n3A_180, %select_n3A_199 : vector<512x128xi1>, vector<512x128xf32>
      %select_n3A_207 = arith.select %lt3A_203, %select_n3A_181, %select_n3A_202 : vector<512x128xi1>, vector<512x128xf32>
      %lt3A_208 = arith.cmpf olt, %select_n3A_206, %select_n3A_185 : vector<512x128xf32>
      %select_n3A_209 = arith.select %lt3A_208, %select_n3A_206, %select_n3A_185 : vector<512x128xi1>, vector<512x128xf32>
      %select_n3A_210 = arith.select %lt3A_208, %select_n3A_207, %select_n3A_186 : vector<512x128xi1>, vector<512x128xf32>
      %select_n3A_211 = arith.select %lt3A_208, %select_n3A_185, %select_n3A_206 : vector<512x128xi1>, vector<512x128xf32>
      %select_n3A_212 = arith.select %lt3A_208, %select_n3A_186, %select_n3A_207 : vector<512x128xi1>, vector<512x128xf32>
      %lt3A_213 = arith.cmpf olt, %select_n3A_211, %select_n3A_190 : vector<512x128xf32>
      %select_n3A_214 = arith.select %lt3A_213, %select_n3A_211, %select_n3A_190 : vector<512x128xi1>, vector<512x128xf32>
      %select_n3A_215 = arith.select %lt3A_213, %select_n3A_212, %select_n3A_191 : vector<512x128xi1>, vector<512x128xf32>
      %slice3A_216 = vector.extract_strided_slice %add3A_49 {offsets = [0, 896], sizes = [512, 128], strides = [1, 1]} : vector<512x6528xf32> to vector<512x128xf32>
      %slice3A_217 = vector.extract_strided_slice %slice3A_43 {offsets = [0, 896], sizes = [1, 128], strides = [1, 1]} : vector<1x6528xf32> to vector<1x128xf32>
      %lt3A_218 = arith.cmpf olt, %slice3A_216, %select_n3A_195 : vector<512x128xf32>
      %select_n3A_219 = arith.select %lt3A_218, %slice3A_216, %select_n3A_195 : vector<512x128xi1>, vector<512x128xf32>
      %broadcast_in_dim3A_220 = vector.shape_cast %slice3A_217 : vector<1x128xf32> to vector<1x128xf32>
      %broadcast_in_dim3A_221 = vector.broadcast %broadcast_in_dim3A_220 : vector<1x128xf32> to vector<512x128xf32>
      %select_n3A_222 = arith.select %lt3A_218, %broadcast_in_dim3A_221, %select_n3A_198 : vector<512x128xi1>, vector<512x128xf32>
      %select_n3A_223 = arith.select %lt3A_218, %select_n3A_195, %slice3A_216 : vector<512x128xi1>, vector<512x128xf32>
      %broadcast_in_dim3A_224 = vector.shape_cast %slice3A_217 : vector<1x128xf32> to vector<1x128xf32>
      %broadcast_in_dim3A_225 = vector.broadcast %broadcast_in_dim3A_224 : vector<1x128xf32> to vector<512x128xf32>
      %select_n3A_226 = arith.select %lt3A_218, %select_n3A_198, %broadcast_in_dim3A_225 : vector<512x128xi1>, vector<512x128xf32>
      %lt3A_227 = arith.cmpf olt, %select_n3A_223, %select_n3A_204 : vector<512x128xf32>
      %select_n3A_228 = arith.select %lt3A_227, %select_n3A_223, %select_n3A_204 : vector<512x128xi1>, vector<512x128xf32>
      %select_n3A_229 = arith.select %lt3A_227, %select_n3A_226, %select_n3A_205 : vector<512x128xi1>, vector<512x128xf32>
      %select_n3A_230 = arith.select %lt3A_227, %select_n3A_204, %select_n3A_223 : vector<512x128xi1>, vector<512x128xf32>
      %select_n3A_231 = arith.select %lt3A_227, %select_n3A_205, %select_n3A_226 : vector<512x128xi1>, vector<512x128xf32>
      %lt3A_232 = arith.cmpf olt, %select_n3A_230, %select_n3A_209 : vector<512x128xf32>
      %select_n3A_233 = arith.select %lt3A_232, %select_n3A_230, %select_n3A_209 : vector<512x128xi1>, vector<512x128xf32>
      %select_n3A_234 = arith.select %lt3A_232, %select_n3A_231, %select_n3A_210 : vector<512x128xi1>, vector<512x128xf32>
      %select_n3A_235 = arith.select %lt3A_232, %select_n3A_209, %select_n3A_230 : vector<512x128xi1>, vector<512x128xf32>
      %select_n3A_236 = arith.select %lt3A_232, %select_n3A_210, %select_n3A_231 : vector<512x128xi1>, vector<512x128xf32>
      %lt3A_237 = arith.cmpf olt, %select_n3A_235, %select_n3A_214 : vector<512x128xf32>
      %select_n3A_238 = arith.select %lt3A_237, %select_n3A_235, %select_n3A_214 : vector<512x128xi1>, vector<512x128xf32>
      %select_n3A_239 = arith.select %lt3A_237, %select_n3A_236, %select_n3A_215 : vector<512x128xi1>, vector<512x128xf32>
      %slice3A_240 = vector.extract_strided_slice %add3A_49 {offsets = [0, 1024], sizes = [512, 128], strides = [1, 1]} : vector<512x6528xf32> to vector<512x128xf32>
      %slice3A_241 = vector.extract_strided_slice %slice3A_43 {offsets = [0, 1024], sizes = [1, 128], strides = [1, 1]} : vector<1x6528xf32> to vector<1x128xf32>
      %lt3A_242 = arith.cmpf olt, %slice3A_240, %select_n3A_219 : vector<512x128xf32>
      %select_n3A_243 = arith.select %lt3A_242, %slice3A_240, %select_n3A_219 : vector<512x128xi1>, vector<512x128xf32>
      %broadcast_in_dim3A_244 = vector.shape_cast %slice3A_241 : vector<1x128xf32> to vector<1x128xf32>
      %broadcast_in_dim3A_245 = vector.broadcast %broadcast_in_dim3A_244 : vector<1x128xf32> to vector<512x128xf32>
      %select_n3A_246 = arith.select %lt3A_242, %broadcast_in_dim3A_245, %select_n3A_222 : vector<512x128xi1>, vector<512x128xf32>
      %select_n3A_247 = arith.select %lt3A_242, %select_n3A_219, %slice3A_240 : vector<512x128xi1>, vector<512x128xf32>
      %broadcast_in_dim3A_248 = vector.shape_cast %slice3A_241 : vector<1x128xf32> to vector<1x128xf32>
      %broadcast_in_dim3A_249 = vector.broadcast %broadcast_in_dim3A_248 : vector<1x128xf32> to vector<512x128xf32>
      %select_n3A_250 = arith.select %lt3A_242, %select_n3A_222, %broadcast_in_dim3A_249 : vector<512x128xi1>, vector<512x128xf32>
      %lt3A_251 = arith.cmpf olt, %select_n3A_247, %select_n3A_228 : vector<512x128xf32>
      %select_n3A_252 = arith.select %lt3A_251, %select_n3A_247, %select_n3A_228 : vector<512x128xi1>, vector<512x128xf32>
      %select_n3A_253 = arith.select %lt3A_251, %select_n3A_250, %select_n3A_229 : vector<512x128xi1>, vector<512x128xf32>
      %select_n3A_254 = arith.select %lt3A_251, %select_n3A_228, %select_n3A_247 : vector<512x128xi1>, vector<512x128xf32>
      %select_n3A_255 = arith.select %lt3A_251, %select_n3A_229, %select_n3A_250 : vector<512x128xi1>, vector<512x128xf32>
      %lt3A_256 = arith.cmpf olt, %select_n3A_254, %select_n3A_233 : vector<512x128xf32>
      %select_n3A_257 = arith.select %lt3A_256, %select_n3A_254, %select_n3A_233 : vector<512x128xi1>, vector<512x128xf32>
      %select_n3A_258 = arith.select %lt3A_256, %select_n3A_255, %select_n3A_234 : vector<512x128xi1>, vector<512x128xf32>
      %select_n3A_259 = arith.select %lt3A_256, %select_n3A_233, %select_n3A_254 : vector<512x128xi1>, vector<512x128xf32>
      %select_n3A_260 = arith.select %lt3A_256, %select_n3A_234, %select_n3A_255 : vector<512x128xi1>, vector<512x128xf32>
      %lt3A_261 = arith.cmpf olt, %select_n3A_259, %select_n3A_238 : vector<512x128xf32>
      %select_n3A_262 = arith.select %lt3A_261, %select_n3A_259, %select_n3A_238 : vector<512x128xi1>, vector<512x128xf32>
      %select_n3A_263 = arith.select %lt3A_261, %select_n3A_260, %select_n3A_239 : vector<512x128xi1>, vector<512x128xf32>
      %slice3A_264 = vector.extract_strided_slice %add3A_49 {offsets = [0, 1152], sizes = [512, 128], strides = [1, 1]} : vector<512x6528xf32> to vector<512x128xf32>
      %slice3A_265 = vector.extract_strided_slice %slice3A_43 {offsets = [0, 1152], sizes = [1, 128], strides = [1, 1]} : vector<1x6528xf32> to vector<1x128xf32>
      %lt3A_266 = arith.cmpf olt, %slice3A_264, %select_n3A_243 : vector<512x128xf32>
      %select_n3A_267 = arith.select %lt3A_266, %slice3A_264, %select_n3A_243 : vector<512x128xi1>, vector<512x128xf32>
      %broadcast_in_dim3A_268 = vector.shape_cast %slice3A_265 : vector<1x128xf32> to vector<1x128xf32>
      %broadcast_in_dim3A_269 = vector.broadcast %broadcast_in_dim3A_268 : vector<1x128xf32> to vector<512x128xf32>
      %select_n3A_270 = arith.select %lt3A_266, %broadcast_in_dim3A_269, %select_n3A_246 : vector<512x128xi1>, vector<512x128xf32>
      %select_n3A_271 = arith.select %lt3A_266, %select_n3A_243, %slice3A_264 : vector<512x128xi1>, vector<512x128xf32>
      %broadcast_in_dim3A_272 = vector.shape_cast %slice3A_265 : vector<1x128xf32> to vector<1x128xf32>
      %broadcast_in_dim3A_273 = vector.broadcast %broadcast_in_dim3A_272 : vector<1x128xf32> to vector<512x128xf32>
      %select_n3A_274 = arith.select %lt3A_266, %select_n3A_246, %broadcast_in_dim3A_273 : vector<512x128xi1>, vector<512x128xf32>
      %lt3A_275 = arith.cmpf olt, %select_n3A_271, %select_n3A_252 : vector<512x128xf32>
      %select_n3A_276 = arith.select %lt3A_275, %select_n3A_271, %select_n3A_252 : vector<512x128xi1>, vector<512x128xf32>
      %select_n3A_277 = arith.select %lt3A_275, %select_n3A_274, %select_n3A_253 : vector<512x128xi1>, vector<512x128xf32>
      %select_n3A_278 = arith.select %lt3A_275, %select_n3A_252, %select_n3A_271 : vector<512x128xi1>, vector<512x128xf32>
      %select_n3A_279 = arith.select %lt3A_275, %select_n3A_253, %select_n3A_274 : vector<512x128xi1>, vector<512x128xf32>
      %lt3A_280 = arith.cmpf olt, %select_n3A_278, %select_n3A_257 : vector<512x128xf32>
      %select_n3A_281 = arith.select %lt3A_280, %select_n3A_278, %select_n3A_257 : vector<512x128xi1>, vector<512x128xf32>
      %select_n3A_282 = arith.select %lt3A_280, %select_n3A_279, %select_n3A_258 : vector<512x128xi1>, vector<512x128xf32>
      %select_n3A_283 = arith.select %lt3A_280, %select_n3A_257, %select_n3A_278 : vector<512x128xi1>, vector<512x128xf32>
      %select_n3A_284 = arith.select %lt3A_280, %select_n3A_258, %select_n3A_279 : vector<512x128xi1>, vector<512x128xf32>
      %lt3A_285 = arith.cmpf olt, %select_n3A_283, %select_n3A_262 : vector<512x128xf32>
      %select_n3A_286 = arith.select %lt3A_285, %select_n3A_283, %select_n3A_262 : vector<512x128xi1>, vector<512x128xf32>
      %select_n3A_287 = arith.select %lt3A_285, %select_n3A_284, %select_n3A_263 : vector<512x128xi1>, vector<512x128xf32>
      %slice3A_288 = vector.extract_strided_slice %add3A_49 {offsets = [0, 1280], sizes = [512, 128], strides = [1, 1]} : vector<512x6528xf32> to vector<512x128xf32>
      %slice3A_289 = vector.extract_strided_slice %slice3A_43 {offsets = [0, 1280], sizes = [1, 128], strides = [1, 1]} : vector<1x6528xf32> to vector<1x128xf32>
      %lt3A_290 = arith.cmpf olt, %slice3A_288, %select_n3A_267 : vector<512x128xf32>
      %select_n3A_291 = arith.select %lt3A_290, %slice3A_288, %select_n3A_267 : vector<512x128xi1>, vector<512x128xf32>
      %broadcast_in_dim3A_292 = vector.shape_cast %slice3A_289 : vector<1x128xf32> to vector<1x128xf32>
      %broadcast_in_dim3A_293 = vector.broadcast %broadcast_in_dim3A_292 : vector<1x128xf32> to vector<512x128xf32>
      %select_n3A_294 = arith.select %lt3A_290, %broadcast_in_dim3A_293, %select_n3A_270 : vector<512x128xi1>, vector<512x128xf32>
      %select_n3A_295 = arith.select %lt3A_290, %select_n3A_267, %slice3A_288 : vector<512x128xi1>, vector<512x128xf32>
      %broadcast_in_dim3A_296 = vector.shape_cast %slice3A_289 : vector<1x128xf32> to vector<1x128xf32>
      %broadcast_in_dim3A_297 = vector.broadcast %broadcast_in_dim3A_296 : vector<1x128xf32> to vector<512x128xf32>
      %select_n3A_298 = arith.select %lt3A_290, %select_n3A_270, %broadcast_in_dim3A_297 : vector<512x128xi1>, vector<512x128xf32>
      %lt3A_299 = arith.cmpf olt, %select_n3A_295, %select_n3A_276 : vector<512x128xf32>
      %select_n3A_300 = arith.select %lt3A_299, %select_n3A_295, %select_n3A_276 : vector<512x128xi1>, vector<512x128xf32>
      %select_n3A_301 = arith.select %lt3A_299, %select_n3A_298, %select_n3A_277 : vector<512x128xi1>, vector<512x128xf32>
      %select_n3A_302 = arith.select %lt3A_299, %select_n3A_276, %select_n3A_295 : vector<512x128xi1>, vector<512x128xf32>
      %select_n3A_303 = arith.select %lt3A_299, %select_n3A_277, %select_n3A_298 : vector<512x128xi1>, vector<512x128xf32>
      %lt3A_304 = arith.cmpf olt, %select_n3A_302, %select_n3A_281 : vector<512x128xf32>
      %select_n3A_305 = arith.select %lt3A_304, %select_n3A_302, %select_n3A_281 : vector<512x128xi1>, vector<512x128xf32>
      %select_n3A_306 = arith.select %lt3A_304, %select_n3A_303, %select_n3A_282 : vector<512x128xi1>, vector<512x128xf32>
      %select_n3A_307 = arith.select %lt3A_304, %select_n3A_281, %select_n3A_302 : vector<512x128xi1>, vector<512x128xf32>
      %select_n3A_308 = arith.select %lt3A_304, %select_n3A_282, %select_n3A_303 : vector<512x128xi1>, vector<512x128xf32>
      %lt3A_309 = arith.cmpf olt, %select_n3A_307, %select_n3A_286 : vector<512x128xf32>
      %select_n3A_310 = arith.select %lt3A_309, %select_n3A_307, %select_n3A_286 : vector<512x128xi1>, vector<512x128xf32>
      %select_n3A_311 = arith.select %lt3A_309, %select_n3A_308, %select_n3A_287 : vector<512x128xi1>, vector<512x128xf32>
      %slice3A_312 = vector.extract_strided_slice %add3A_49 {offsets = [0, 1408], sizes = [512, 128], strides = [1, 1]} : vector<512x6528xf32> to vector<512x128xf32>
      %slice3A_313 = vector.extract_strided_slice %slice3A_43 {offsets = [0, 1408], sizes = [1, 128], strides = [1, 1]} : vector<1x6528xf32> to vector<1x128xf32>
      %lt3A_314 = arith.cmpf olt, %slice3A_312, %select_n3A_291 : vector<512x128xf32>
      %select_n3A_315 = arith.select %lt3A_314, %slice3A_312, %select_n3A_291 : vector<512x128xi1>, vector<512x128xf32>
      %broadcast_in_dim3A_316 = vector.shape_cast %slice3A_313 : vector<1x128xf32> to vector<1x128xf32>
      %broadcast_in_dim3A_317 = vector.broadcast %broadcast_in_dim3A_316 : vector<1x128xf32> to vector<512x128xf32>
      %select_n3A_318 = arith.select %lt3A_314, %broadcast_in_dim3A_317, %select_n3A_294 : vector<512x128xi1>, vector<512x128xf32>
      %select_n3A_319 = arith.select %lt3A_314, %select_n3A_291, %slice3A_312 : vector<512x128xi1>, vector<512x128xf32>
      %broadcast_in_dim3A_320 = vector.shape_cast %slice3A_313 : vector<1x128xf32> to vector<1x128xf32>
      %broadcast_in_dim3A_321 = vector.broadcast %broadcast_in_dim3A_320 : vector<1x128xf32> to vector<512x128xf32>
      %select_n3A_322 = arith.select %lt3A_314, %select_n3A_294, %broadcast_in_dim3A_321 : vector<512x128xi1>, vector<512x128xf32>
      %lt3A_323 = arith.cmpf olt, %select_n3A_319, %select_n3A_300 : vector<512x128xf32>
      %select_n3A_324 = arith.select %lt3A_323, %select_n3A_319, %select_n3A_300 : vector<512x128xi1>, vector<512x128xf32>
      %select_n3A_325 = arith.select %lt3A_323, %select_n3A_322, %select_n3A_301 : vector<512x128xi1>, vector<512x128xf32>
      %select_n3A_326 = arith.select %lt3A_323, %select_n3A_300, %select_n3A_319 : vector<512x128xi1>, vector<512x128xf32>
      %select_n3A_327 = arith.select %lt3A_323, %select_n3A_301, %select_n3A_322 : vector<512x128xi1>, vector<512x128xf32>
      %lt3A_328 = arith.cmpf olt, %select_n3A_326, %select_n3A_305 : vector<512x128xf32>
      %select_n3A_329 = arith.select %lt3A_328, %select_n3A_326, %select_n3A_305 : vector<512x128xi1>, vector<512x128xf32>
      %select_n3A_330 = arith.select %lt3A_328, %select_n3A_327, %select_n3A_306 : vector<512x128xi1>, vector<512x128xf32>
      %select_n3A_331 = arith.select %lt3A_328, %select_n3A_305, %select_n3A_326 : vector<512x128xi1>, vector<512x128xf32>
      %select_n3A_332 = arith.select %lt3A_328, %select_n3A_306, %select_n3A_327 : vector<512x128xi1>, vector<512x128xf32>
      %lt3A_333 = arith.cmpf olt, %select_n3A_331, %select_n3A_310 : vector<512x128xf32>
      %select_n3A_334 = arith.select %lt3A_333, %select_n3A_331, %select_n3A_310 : vector<512x128xi1>, vector<512x128xf32>
      %select_n3A_335 = arith.select %lt3A_333, %select_n3A_332, %select_n3A_311 : vector<512x128xi1>, vector<512x128xf32>
      %slice3A_336 = vector.extract_strided_slice %add3A_49 {offsets = [0, 1536], sizes = [512, 128], strides = [1, 1]} : vector<512x6528xf32> to vector<512x128xf32>
      %slice3A_337 = vector.extract_strided_slice %slice3A_43 {offsets = [0, 1536], sizes = [1, 128], strides = [1, 1]} : vector<1x6528xf32> to vector<1x128xf32>
      %lt3A_338 = arith.cmpf olt, %slice3A_336, %select_n3A_315 : vector<512x128xf32>
      %select_n3A_339 = arith.select %lt3A_338, %slice3A_336, %select_n3A_315 : vector<512x128xi1>, vector<512x128xf32>
      %broadcast_in_dim3A_340 = vector.shape_cast %slice3A_337 : vector<1x128xf32> to vector<1x128xf32>
      %broadcast_in_dim3A_341 = vector.broadcast %broadcast_in_dim3A_340 : vector<1x128xf32> to vector<512x128xf32>
      %select_n3A_342 = arith.select %lt3A_338, %broadcast_in_dim3A_341, %select_n3A_318 : vector<512x128xi1>, vector<512x128xf32>
      %select_n3A_343 = arith.select %lt3A_338, %select_n3A_315, %slice3A_336 : vector<512x128xi1>, vector<512x128xf32>
      %broadcast_in_dim3A_344 = vector.shape_cast %slice3A_337 : vector<1x128xf32> to vector<1x128xf32>
      %broadcast_in_dim3A_345 = vector.broadcast %broadcast_in_dim3A_344 : vector<1x128xf32> to vector<512x128xf32>
      %select_n3A_346 = arith.select %lt3A_338, %select_n3A_318, %broadcast_in_dim3A_345 : vector<512x128xi1>, vector<512x128xf32>
      %lt3A_347 = arith.cmpf olt, %select_n3A_343, %select_n3A_324 : vector<512x128xf32>
      %select_n3A_348 = arith.select %lt3A_347, %select_n3A_343, %select_n3A_324 : vector<512x128xi1>, vector<512x128xf32>
      %select_n3A_349 = arith.select %lt3A_347, %select_n3A_346, %select_n3A_325 : vector<512x128xi1>, vector<512x128xf32>
      %select_n3A_350 = arith.select %lt3A_347, %select_n3A_324, %select_n3A_343 : vector<512x128xi1>, vector<512x128xf32>
      %select_n3A_351 = arith.select %lt3A_347, %select_n3A_325, %select_n3A_346 : vector<512x128xi1>, vector<512x128xf32>
      %lt3A_352 = arith.cmpf olt, %select_n3A_350, %select_n3A_329 : vector<512x128xf32>
      %select_n3A_353 = arith.select %lt3A_352, %select_n3A_350, %select_n3A_329 : vector<512x128xi1>, vector<512x128xf32>
      %select_n3A_354 = arith.select %lt3A_352, %select_n3A_351, %select_n3A_330 : vector<512x128xi1>, vector<512x128xf32>
      %select_n3A_355 = arith.select %lt3A_352, %select_n3A_329, %select_n3A_350 : vector<512x128xi1>, vector<512x128xf32>
      %select_n3A_356 = arith.select %lt3A_352, %select_n3A_330, %select_n3A_351 : vector<512x128xi1>, vector<512x128xf32>
      %lt3A_357 = arith.cmpf olt, %select_n3A_355, %select_n3A_334 : vector<512x128xf32>
      %select_n3A_358 = arith.select %lt3A_357, %select_n3A_355, %select_n3A_334 : vector<512x128xi1>, vector<512x128xf32>
      %select_n3A_359 = arith.select %lt3A_357, %select_n3A_356, %select_n3A_335 : vector<512x128xi1>, vector<512x128xf32>
      %slice3A_360 = vector.extract_strided_slice %add3A_49 {offsets = [0, 1664], sizes = [512, 128], strides = [1, 1]} : vector<512x6528xf32> to vector<512x128xf32>
      %slice3A_361 = vector.extract_strided_slice %slice3A_43 {offsets = [0, 1664], sizes = [1, 128], strides = [1, 1]} : vector<1x6528xf32> to vector<1x128xf32>
      %lt3A_362 = arith.cmpf olt, %slice3A_360, %select_n3A_339 : vector<512x128xf32>
      %select_n3A_363 = arith.select %lt3A_362, %slice3A_360, %select_n3A_339 : vector<512x128xi1>, vector<512x128xf32>
      %broadcast_in_dim3A_364 = vector.shape_cast %slice3A_361 : vector<1x128xf32> to vector<1x128xf32>
      %broadcast_in_dim3A_365 = vector.broadcast %broadcast_in_dim3A_364 : vector<1x128xf32> to vector<512x128xf32>
      %select_n3A_366 = arith.select %lt3A_362, %broadcast_in_dim3A_365, %select_n3A_342 : vector<512x128xi1>, vector<512x128xf32>
      %select_n3A_367 = arith.select %lt3A_362, %select_n3A_339, %slice3A_360 : vector<512x128xi1>, vector<512x128xf32>
      %broadcast_in_dim3A_368 = vector.shape_cast %slice3A_361 : vector<1x128xf32> to vector<1x128xf32>
      %broadcast_in_dim3A_369 = vector.broadcast %broadcast_in_dim3A_368 : vector<1x128xf32> to vector<512x128xf32>
      %select_n3A_370 = arith.select %lt3A_362, %select_n3A_342, %broadcast_in_dim3A_369 : vector<512x128xi1>, vector<512x128xf32>
      %lt3A_371 = arith.cmpf olt, %select_n3A_367, %select_n3A_348 : vector<512x128xf32>
      %select_n3A_372 = arith.select %lt3A_371, %select_n3A_367, %select_n3A_348 : vector<512x128xi1>, vector<512x128xf32>
      %select_n3A_373 = arith.select %lt3A_371, %select_n3A_370, %select_n3A_349 : vector<512x128xi1>, vector<512x128xf32>
      %select_n3A_374 = arith.select %lt3A_371, %select_n3A_348, %select_n3A_367 : vector<512x128xi1>, vector<512x128xf32>
      %select_n3A_375 = arith.select %lt3A_371, %select_n3A_349, %select_n3A_370 : vector<512x128xi1>, vector<512x128xf32>
      %lt3A_376 = arith.cmpf olt, %select_n3A_374, %select_n3A_353 : vector<512x128xf32>
      %select_n3A_377 = arith.select %lt3A_376, %select_n3A_374, %select_n3A_353 : vector<512x128xi1>, vector<512x128xf32>
      %select_n3A_378 = arith.select %lt3A_376, %select_n3A_375, %select_n3A_354 : vector<512x128xi1>, vector<512x128xf32>
      %select_n3A_379 = arith.select %lt3A_376, %select_n3A_353, %select_n3A_374 : vector<512x128xi1>, vector<512x128xf32>
      %select_n3A_380 = arith.select %lt3A_376, %select_n3A_354, %select_n3A_375 : vector<512x128xi1>, vector<512x128xf32>
      %lt3A_381 = arith.cmpf olt, %select_n3A_379, %select_n3A_358 : vector<512x128xf32>
      %select_n3A_382 = arith.select %lt3A_381, %select_n3A_379, %select_n3A_358 : vector<512x128xi1>, vector<512x128xf32>
      %select_n3A_383 = arith.select %lt3A_381, %select_n3A_380, %select_n3A_359 : vector<512x128xi1>, vector<512x128xf32>
      %slice3A_384 = vector.extract_strided_slice %add3A_49 {offsets = [0, 1792], sizes = [512, 128], strides = [1, 1]} : vector<512x6528xf32> to vector<512x128xf32>
      %slice3A_385 = vector.extract_strided_slice %slice3A_43 {offsets = [0, 1792], sizes = [1, 128], strides = [1, 1]} : vector<1x6528xf32> to vector<1x128xf32>
      %lt3A_386 = arith.cmpf olt, %slice3A_384, %select_n3A_363 : vector<512x128xf32>
      %select_n3A_387 = arith.select %lt3A_386, %slice3A_384, %select_n3A_363 : vector<512x128xi1>, vector<512x128xf32>
      %broadcast_in_dim3A_388 = vector.shape_cast %slice3A_385 : vector<1x128xf32> to vector<1x128xf32>
      %broadcast_in_dim3A_389 = vector.broadcast %broadcast_in_dim3A_388 : vector<1x128xf32> to vector<512x128xf32>
      %select_n3A_390 = arith.select %lt3A_386, %broadcast_in_dim3A_389, %select_n3A_366 : vector<512x128xi1>, vector<512x128xf32>
      %select_n3A_391 = arith.select %lt3A_386, %select_n3A_363, %slice3A_384 : vector<512x128xi1>, vector<512x128xf32>
      %broadcast_in_dim3A_392 = vector.shape_cast %slice3A_385 : vector<1x128xf32> to vector<1x128xf32>
      %broadcast_in_dim3A_393 = vector.broadcast %broadcast_in_dim3A_392 : vector<1x128xf32> to vector<512x128xf32>
      %select_n3A_394 = arith.select %lt3A_386, %select_n3A_366, %broadcast_in_dim3A_393 : vector<512x128xi1>, vector<512x128xf32>
      %lt3A_395 = arith.cmpf olt, %select_n3A_391, %select_n3A_372 : vector<512x128xf32>
      %select_n3A_396 = arith.select %lt3A_395, %select_n3A_391, %select_n3A_372 : vector<512x128xi1>, vector<512x128xf32>
      %select_n3A_397 = arith.select %lt3A_395, %select_n3A_394, %select_n3A_373 : vector<512x128xi1>, vector<512x128xf32>
      %select_n3A_398 = arith.select %lt3A_395, %select_n3A_372, %select_n3A_391 : vector<512x128xi1>, vector<512x128xf32>
      %select_n3A_399 = arith.select %lt3A_395, %select_n3A_373, %select_n3A_394 : vector<512x128xi1>, vector<512x128xf32>
      %lt3A_400 = arith.cmpf olt, %select_n3A_398, %select_n3A_377 : vector<512x128xf32>
      %select_n3A_401 = arith.select %lt3A_400, %select_n3A_398, %select_n3A_377 : vector<512x128xi1>, vector<512x128xf32>
      %select_n3A_402 = arith.select %lt3A_400, %select_n3A_399, %select_n3A_378 : vector<512x128xi1>, vector<512x128xf32>
      %select_n3A_403 = arith.select %lt3A_400, %select_n3A_377, %select_n3A_398 : vector<512x128xi1>, vector<512x128xf32>
      %select_n3A_404 = arith.select %lt3A_400, %select_n3A_378, %select_n3A_399 : vector<512x128xi1>, vector<512x128xf32>
      %lt3A_405 = arith.cmpf olt, %select_n3A_403, %select_n3A_382 : vector<512x128xf32>
      %select_n3A_406 = arith.select %lt3A_405, %select_n3A_403, %select_n3A_382 : vector<512x128xi1>, vector<512x128xf32>
      %select_n3A_407 = arith.select %lt3A_405, %select_n3A_404, %select_n3A_383 : vector<512x128xi1>, vector<512x128xf32>
      %slice3A_408 = vector.extract_strided_slice %add3A_49 {offsets = [0, 1920], sizes = [512, 128], strides = [1, 1]} : vector<512x6528xf32> to vector<512x128xf32>
      %slice3A_409 = vector.extract_strided_slice %slice3A_43 {offsets = [0, 1920], sizes = [1, 128], strides = [1, 1]} : vector<1x6528xf32> to vector<1x128xf32>
      %lt3A_410 = arith.cmpf olt, %slice3A_408, %select_n3A_387 : vector<512x128xf32>
      %select_n3A_411 = arith.select %lt3A_410, %slice3A_408, %select_n3A_387 : vector<512x128xi1>, vector<512x128xf32>
      %broadcast_in_dim3A_412 = vector.shape_cast %slice3A_409 : vector<1x128xf32> to vector<1x128xf32>
      %broadcast_in_dim3A_413 = vector.broadcast %broadcast_in_dim3A_412 : vector<1x128xf32> to vector<512x128xf32>
      %select_n3A_414 = arith.select %lt3A_410, %broadcast_in_dim3A_413, %select_n3A_390 : vector<512x128xi1>, vector<512x128xf32>
      %select_n3A_415 = arith.select %lt3A_410, %select_n3A_387, %slice3A_408 : vector<512x128xi1>, vector<512x128xf32>
      %broadcast_in_dim3A_416 = vector.shape_cast %slice3A_409 : vector<1x128xf32> to vector<1x128xf32>
      %broadcast_in_dim3A_417 = vector.broadcast %broadcast_in_dim3A_416 : vector<1x128xf32> to vector<512x128xf32>
      %select_n3A_418 = arith.select %lt3A_410, %select_n3A_390, %broadcast_in_dim3A_417 : vector<512x128xi1>, vector<512x128xf32>
      %lt3A_419 = arith.cmpf olt, %select_n3A_415, %select_n3A_396 : vector<512x128xf32>
      %select_n3A_420 = arith.select %lt3A_419, %select_n3A_415, %select_n3A_396 : vector<512x128xi1>, vector<512x128xf32>
      %select_n3A_421 = arith.select %lt3A_419, %select_n3A_418, %select_n3A_397 : vector<512x128xi1>, vector<512x128xf32>
      %select_n3A_422 = arith.select %lt3A_419, %select_n3A_396, %select_n3A_415 : vector<512x128xi1>, vector<512x128xf32>
      %select_n3A_423 = arith.select %lt3A_419, %select_n3A_397, %select_n3A_418 : vector<512x128xi1>, vector<512x128xf32>
      %lt3A_424 = arith.cmpf olt, %select_n3A_422, %select_n3A_401 : vector<512x128xf32>
      %select_n3A_425 = arith.select %lt3A_424, %select_n3A_422, %select_n3A_401 : vector<512x128xi1>, vector<512x128xf32>
      %select_n3A_426 = arith.select %lt3A_424, %select_n3A_423, %select_n3A_402 : vector<512x128xi1>, vector<512x128xf32>
      %select_n3A_427 = arith.select %lt3A_424, %select_n3A_401, %select_n3A_422 : vector<512x128xi1>, vector<512x128xf32>
      %select_n3A_428 = arith.select %lt3A_424, %select_n3A_402, %select_n3A_423 : vector<512x128xi1>, vector<512x128xf32>
      %lt3A_429 = arith.cmpf olt, %select_n3A_427, %select_n3A_406 : vector<512x128xf32>
      %select_n3A_430 = arith.select %lt3A_429, %select_n3A_427, %select_n3A_406 : vector<512x128xi1>, vector<512x128xf32>
      %select_n3A_431 = arith.select %lt3A_429, %select_n3A_428, %select_n3A_407 : vector<512x128xi1>, vector<512x128xf32>
      %slice3A_432 = vector.extract_strided_slice %add3A_49 {offsets = [0, 2048], sizes = [512, 128], strides = [1, 1]} : vector<512x6528xf32> to vector<512x128xf32>
      %slice3A_433 = vector.extract_strided_slice %slice3A_43 {offsets = [0, 2048], sizes = [1, 128], strides = [1, 1]} : vector<1x6528xf32> to vector<1x128xf32>
      %lt3A_434 = arith.cmpf olt, %slice3A_432, %select_n3A_411 : vector<512x128xf32>
      %select_n3A_435 = arith.select %lt3A_434, %slice3A_432, %select_n3A_411 : vector<512x128xi1>, vector<512x128xf32>
      %broadcast_in_dim3A_436 = vector.shape_cast %slice3A_433 : vector<1x128xf32> to vector<1x128xf32>
      %broadcast_in_dim3A_437 = vector.broadcast %broadcast_in_dim3A_436 : vector<1x128xf32> to vector<512x128xf32>
      %select_n3A_438 = arith.select %lt3A_434, %broadcast_in_dim3A_437, %select_n3A_414 : vector<512x128xi1>, vector<512x128xf32>
      %select_n3A_439 = arith.select %lt3A_434, %select_n3A_411, %slice3A_432 : vector<512x128xi1>, vector<512x128xf32>
      %broadcast_in_dim3A_440 = vector.shape_cast %slice3A_433 : vector<1x128xf32> to vector<1x128xf32>
      %broadcast_in_dim3A_441 = vector.broadcast %broadcast_in_dim3A_440 : vector<1x128xf32> to vector<512x128xf32>
      %select_n3A_442 = arith.select %lt3A_434, %select_n3A_414, %broadcast_in_dim3A_441 : vector<512x128xi1>, vector<512x128xf32>
      %lt3A_443 = arith.cmpf olt, %select_n3A_439, %select_n3A_420 : vector<512x128xf32>
      %select_n3A_444 = arith.select %lt3A_443, %select_n3A_439, %select_n3A_420 : vector<512x128xi1>, vector<512x128xf32>
      %select_n3A_445 = arith.select %lt3A_443, %select_n3A_442, %select_n3A_421 : vector<512x128xi1>, vector<512x128xf32>
      %select_n3A_446 = arith.select %lt3A_443, %select_n3A_420, %select_n3A_439 : vector<512x128xi1>, vector<512x128xf32>
      %select_n3A_447 = arith.select %lt3A_443, %select_n3A_421, %select_n3A_442 : vector<512x128xi1>, vector<512x128xf32>
      %lt3A_448 = arith.cmpf olt, %select_n3A_446, %select_n3A_425 : vector<512x128xf32>
      %select_n3A_449 = arith.select %lt3A_448, %select_n3A_446, %select_n3A_425 : vector<512x128xi1>, vector<512x128xf32>
      %select_n3A_450 = arith.select %lt3A_448, %select_n3A_447, %select_n3A_426 : vector<512x128xi1>, vector<512x128xf32>
      %select_n3A_451 = arith.select %lt3A_448, %select_n3A_425, %select_n3A_446 : vector<512x128xi1>, vector<512x128xf32>
      %select_n3A_452 = arith.select %lt3A_448, %select_n3A_426, %select_n3A_447 : vector<512x128xi1>, vector<512x128xf32>
      %lt3A_453 = arith.cmpf olt, %select_n3A_451, %select_n3A_430 : vector<512x128xf32>
      %select_n3A_454 = arith.select %lt3A_453, %select_n3A_451, %select_n3A_430 : vector<512x128xi1>, vector<512x128xf32>
      %select_n3A_455 = arith.select %lt3A_453, %select_n3A_452, %select_n3A_431 : vector<512x128xi1>, vector<512x128xf32>
      %slice3A_456 = vector.extract_strided_slice %add3A_49 {offsets = [0, 2176], sizes = [512, 128], strides = [1, 1]} : vector<512x6528xf32> to vector<512x128xf32>
      %slice3A_457 = vector.extract_strided_slice %slice3A_43 {offsets = [0, 2176], sizes = [1, 128], strides = [1, 1]} : vector<1x6528xf32> to vector<1x128xf32>
      %lt3A_458 = arith.cmpf olt, %slice3A_456, %select_n3A_435 : vector<512x128xf32>
      %select_n3A_459 = arith.select %lt3A_458, %slice3A_456, %select_n3A_435 : vector<512x128xi1>, vector<512x128xf32>
      %broadcast_in_dim3A_460 = vector.shape_cast %slice3A_457 : vector<1x128xf32> to vector<1x128xf32>
      %broadcast_in_dim3A_461 = vector.broadcast %broadcast_in_dim3A_460 : vector<1x128xf32> to vector<512x128xf32>
      %select_n3A_462 = arith.select %lt3A_458, %broadcast_in_dim3A_461, %select_n3A_438 : vector<512x128xi1>, vector<512x128xf32>
      %select_n3A_463 = arith.select %lt3A_458, %select_n3A_435, %slice3A_456 : vector<512x128xi1>, vector<512x128xf32>
      %broadcast_in_dim3A_464 = vector.shape_cast %slice3A_457 : vector<1x128xf32> to vector<1x128xf32>
      %broadcast_in_dim3A_465 = vector.broadcast %broadcast_in_dim3A_464 : vector<1x128xf32> to vector<512x128xf32>
      %select_n3A_466 = arith.select %lt3A_458, %select_n3A_438, %broadcast_in_dim3A_465 : vector<512x128xi1>, vector<512x128xf32>
      %lt3A_467 = arith.cmpf olt, %select_n3A_463, %select_n3A_444 : vector<512x128xf32>
      %select_n3A_468 = arith.select %lt3A_467, %select_n3A_463, %select_n3A_444 : vector<512x128xi1>, vector<512x128xf32>
      %select_n3A_469 = arith.select %lt3A_467, %select_n3A_466, %select_n3A_445 : vector<512x128xi1>, vector<512x128xf32>
      %select_n3A_470 = arith.select %lt3A_467, %select_n3A_444, %select_n3A_463 : vector<512x128xi1>, vector<512x128xf32>
      %select_n3A_471 = arith.select %lt3A_467, %select_n3A_445, %select_n3A_466 : vector<512x128xi1>, vector<512x128xf32>
      %lt3A_472 = arith.cmpf olt, %select_n3A_470, %select_n3A_449 : vector<512x128xf32>
      %select_n3A_473 = arith.select %lt3A_472, %select_n3A_470, %select_n3A_449 : vector<512x128xi1>, vector<512x128xf32>
      %select_n3A_474 = arith.select %lt3A_472, %select_n3A_471, %select_n3A_450 : vector<512x128xi1>, vector<512x128xf32>
      %select_n3A_475 = arith.select %lt3A_472, %select_n3A_449, %select_n3A_470 : vector<512x128xi1>, vector<512x128xf32>
      %select_n3A_476 = arith.select %lt3A_472, %select_n3A_450, %select_n3A_471 : vector<512x128xi1>, vector<512x128xf32>
      %lt3A_477 = arith.cmpf olt, %select_n3A_475, %select_n3A_454 : vector<512x128xf32>
      %select_n3A_478 = arith.select %lt3A_477, %select_n3A_475, %select_n3A_454 : vector<512x128xi1>, vector<512x128xf32>
      %select_n3A_479 = arith.select %lt3A_477, %select_n3A_476, %select_n3A_455 : vector<512x128xi1>, vector<512x128xf32>
      %slice3A_480 = vector.extract_strided_slice %add3A_49 {offsets = [0, 2304], sizes = [512, 128], strides = [1, 1]} : vector<512x6528xf32> to vector<512x128xf32>
      %slice3A_481 = vector.extract_strided_slice %slice3A_43 {offsets = [0, 2304], sizes = [1, 128], strides = [1, 1]} : vector<1x6528xf32> to vector<1x128xf32>
      %lt3A_482 = arith.cmpf olt, %slice3A_480, %select_n3A_459 : vector<512x128xf32>
      %select_n3A_483 = arith.select %lt3A_482, %slice3A_480, %select_n3A_459 : vector<512x128xi1>, vector<512x128xf32>
      %broadcast_in_dim3A_484 = vector.shape_cast %slice3A_481 : vector<1x128xf32> to vector<1x128xf32>
      %broadcast_in_dim3A_485 = vector.broadcast %broadcast_in_dim3A_484 : vector<1x128xf32> to vector<512x128xf32>
      %select_n3A_486 = arith.select %lt3A_482, %broadcast_in_dim3A_485, %select_n3A_462 : vector<512x128xi1>, vector<512x128xf32>
      %select_n3A_487 = arith.select %lt3A_482, %select_n3A_459, %slice3A_480 : vector<512x128xi1>, vector<512x128xf32>
      %broadcast_in_dim3A_488 = vector.shape_cast %slice3A_481 : vector<1x128xf32> to vector<1x128xf32>
      %broadcast_in_dim3A_489 = vector.broadcast %broadcast_in_dim3A_488 : vector<1x128xf32> to vector<512x128xf32>
      %select_n3A_490 = arith.select %lt3A_482, %select_n3A_462, %broadcast_in_dim3A_489 : vector<512x128xi1>, vector<512x128xf32>
      %lt3A_491 = arith.cmpf olt, %select_n3A_487, %select_n3A_468 : vector<512x128xf32>
      %select_n3A_492 = arith.select %lt3A_491, %select_n3A_487, %select_n3A_468 : vector<512x128xi1>, vector<512x128xf32>
      %select_n3A_493 = arith.select %lt3A_491, %select_n3A_490, %select_n3A_469 : vector<512x128xi1>, vector<512x128xf32>
      %select_n3A_494 = arith.select %lt3A_491, %select_n3A_468, %select_n3A_487 : vector<512x128xi1>, vector<512x128xf32>
      %select_n3A_495 = arith.select %lt3A_491, %select_n3A_469, %select_n3A_490 : vector<512x128xi1>, vector<512x128xf32>
      %lt3A_496 = arith.cmpf olt, %select_n3A_494, %select_n3A_473 : vector<512x128xf32>
      %select_n3A_497 = arith.select %lt3A_496, %select_n3A_494, %select_n3A_473 : vector<512x128xi1>, vector<512x128xf32>
      %select_n3A_498 = arith.select %lt3A_496, %select_n3A_495, %select_n3A_474 : vector<512x128xi1>, vector<512x128xf32>
      %select_n3A_499 = arith.select %lt3A_496, %select_n3A_473, %select_n3A_494 : vector<512x128xi1>, vector<512x128xf32>
      %select_n3A_500 = arith.select %lt3A_496, %select_n3A_474, %select_n3A_495 : vector<512x128xi1>, vector<512x128xf32>
      %lt3A_501 = arith.cmpf olt, %select_n3A_499, %select_n3A_478 : vector<512x128xf32>
      %select_n3A_502 = arith.select %lt3A_501, %select_n3A_499, %select_n3A_478 : vector<512x128xi1>, vector<512x128xf32>
      %select_n3A_503 = arith.select %lt3A_501, %select_n3A_500, %select_n3A_479 : vector<512x128xi1>, vector<512x128xf32>
      %slice3A_504 = vector.extract_strided_slice %add3A_49 {offsets = [0, 2432], sizes = [512, 128], strides = [1, 1]} : vector<512x6528xf32> to vector<512x128xf32>
      %slice3A_505 = vector.extract_strided_slice %slice3A_43 {offsets = [0, 2432], sizes = [1, 128], strides = [1, 1]} : vector<1x6528xf32> to vector<1x128xf32>
      %lt3A_506 = arith.cmpf olt, %slice3A_504, %select_n3A_483 : vector<512x128xf32>
      %select_n3A_507 = arith.select %lt3A_506, %slice3A_504, %select_n3A_483 : vector<512x128xi1>, vector<512x128xf32>
      %broadcast_in_dim3A_508 = vector.shape_cast %slice3A_505 : vector<1x128xf32> to vector<1x128xf32>
      %broadcast_in_dim3A_509 = vector.broadcast %broadcast_in_dim3A_508 : vector<1x128xf32> to vector<512x128xf32>
      %select_n3A_510 = arith.select %lt3A_506, %broadcast_in_dim3A_509, %select_n3A_486 : vector<512x128xi1>, vector<512x128xf32>
      %select_n3A_511 = arith.select %lt3A_506, %select_n3A_483, %slice3A_504 : vector<512x128xi1>, vector<512x128xf32>
      %broadcast_in_dim3A_512 = vector.shape_cast %slice3A_505 : vector<1x128xf32> to vector<1x128xf32>
      %broadcast_in_dim3A_513 = vector.broadcast %broadcast_in_dim3A_512 : vector<1x128xf32> to vector<512x128xf32>
      %select_n3A_514 = arith.select %lt3A_506, %select_n3A_486, %broadcast_in_dim3A_513 : vector<512x128xi1>, vector<512x128xf32>
      %lt3A_515 = arith.cmpf olt, %select_n3A_511, %select_n3A_492 : vector<512x128xf32>
      %select_n3A_516 = arith.select %lt3A_515, %select_n3A_511, %select_n3A_492 : vector<512x128xi1>, vector<512x128xf32>
      %select_n3A_517 = arith.select %lt3A_515, %select_n3A_514, %select_n3A_493 : vector<512x128xi1>, vector<512x128xf32>
      %select_n3A_518 = arith.select %lt3A_515, %select_n3A_492, %select_n3A_511 : vector<512x128xi1>, vector<512x128xf32>
      %select_n3A_519 = arith.select %lt3A_515, %select_n3A_493, %select_n3A_514 : vector<512x128xi1>, vector<512x128xf32>
      %lt3A_520 = arith.cmpf olt, %select_n3A_518, %select_n3A_497 : vector<512x128xf32>
      %select_n3A_521 = arith.select %lt3A_520, %select_n3A_518, %select_n3A_497 : vector<512x128xi1>, vector<512x128xf32>
      %select_n3A_522 = arith.select %lt3A_520, %select_n3A_519, %select_n3A_498 : vector<512x128xi1>, vector<512x128xf32>
      %select_n3A_523 = arith.select %lt3A_520, %select_n3A_497, %select_n3A_518 : vector<512x128xi1>, vector<512x128xf32>
      %select_n3A_524 = arith.select %lt3A_520, %select_n3A_498, %select_n3A_519 : vector<512x128xi1>, vector<512x128xf32>
      %lt3A_525 = arith.cmpf olt, %select_n3A_523, %select_n3A_502 : vector<512x128xf32>
      %select_n3A_526 = arith.select %lt3A_525, %select_n3A_523, %select_n3A_502 : vector<512x128xi1>, vector<512x128xf32>
      %select_n3A_527 = arith.select %lt3A_525, %select_n3A_524, %select_n3A_503 : vector<512x128xi1>, vector<512x128xf32>
      %slice3A_528 = vector.extract_strided_slice %add3A_49 {offsets = [0, 2560], sizes = [512, 128], strides = [1, 1]} : vector<512x6528xf32> to vector<512x128xf32>
      %slice3A_529 = vector.extract_strided_slice %slice3A_43 {offsets = [0, 2560], sizes = [1, 128], strides = [1, 1]} : vector<1x6528xf32> to vector<1x128xf32>
      %lt3A_530 = arith.cmpf olt, %slice3A_528, %select_n3A_507 : vector<512x128xf32>
      %select_n3A_531 = arith.select %lt3A_530, %slice3A_528, %select_n3A_507 : vector<512x128xi1>, vector<512x128xf32>
      %broadcast_in_dim3A_532 = vector.shape_cast %slice3A_529 : vector<1x128xf32> to vector<1x128xf32>
      %broadcast_in_dim3A_533 = vector.broadcast %broadcast_in_dim3A_532 : vector<1x128xf32> to vector<512x128xf32>
      %select_n3A_534 = arith.select %lt3A_530, %broadcast_in_dim3A_533, %select_n3A_510 : vector<512x128xi1>, vector<512x128xf32>
      %select_n3A_535 = arith.select %lt3A_530, %select_n3A_507, %slice3A_528 : vector<512x128xi1>, vector<512x128xf32>
      %broadcast_in_dim3A_536 = vector.shape_cast %slice3A_529 : vector<1x128xf32> to vector<1x128xf32>
      %broadcast_in_dim3A_537 = vector.broadcast %broadcast_in_dim3A_536 : vector<1x128xf32> to vector<512x128xf32>
      %select_n3A_538 = arith.select %lt3A_530, %select_n3A_510, %broadcast_in_dim3A_537 : vector<512x128xi1>, vector<512x128xf32>
      %lt3A_539 = arith.cmpf olt, %select_n3A_535, %select_n3A_516 : vector<512x128xf32>
      %select_n3A_540 = arith.select %lt3A_539, %select_n3A_535, %select_n3A_516 : vector<512x128xi1>, vector<512x128xf32>
      %select_n3A_541 = arith.select %lt3A_539, %select_n3A_538, %select_n3A_517 : vector<512x128xi1>, vector<512x128xf32>
      %select_n3A_542 = arith.select %lt3A_539, %select_n3A_516, %select_n3A_535 : vector<512x128xi1>, vector<512x128xf32>
      %select_n3A_543 = arith.select %lt3A_539, %select_n3A_517, %select_n3A_538 : vector<512x128xi1>, vector<512x128xf32>
      %lt3A_544 = arith.cmpf olt, %select_n3A_542, %select_n3A_521 : vector<512x128xf32>
      %select_n3A_545 = arith.select %lt3A_544, %select_n3A_542, %select_n3A_521 : vector<512x128xi1>, vector<512x128xf32>
      %select_n3A_546 = arith.select %lt3A_544, %select_n3A_543, %select_n3A_522 : vector<512x128xi1>, vector<512x128xf32>
      %select_n3A_547 = arith.select %lt3A_544, %select_n3A_521, %select_n3A_542 : vector<512x128xi1>, vector<512x128xf32>
      %select_n3A_548 = arith.select %lt3A_544, %select_n3A_522, %select_n3A_543 : vector<512x128xi1>, vector<512x128xf32>
      %lt3A_549 = arith.cmpf olt, %select_n3A_547, %select_n3A_526 : vector<512x128xf32>
      %select_n3A_550 = arith.select %lt3A_549, %select_n3A_547, %select_n3A_526 : vector<512x128xi1>, vector<512x128xf32>
      %select_n3A_551 = arith.select %lt3A_549, %select_n3A_548, %select_n3A_527 : vector<512x128xi1>, vector<512x128xf32>
      %slice3A_552 = vector.extract_strided_slice %add3A_49 {offsets = [0, 2688], sizes = [512, 128], strides = [1, 1]} : vector<512x6528xf32> to vector<512x128xf32>
      %slice3A_553 = vector.extract_strided_slice %slice3A_43 {offsets = [0, 2688], sizes = [1, 128], strides = [1, 1]} : vector<1x6528xf32> to vector<1x128xf32>
      %lt3A_554 = arith.cmpf olt, %slice3A_552, %select_n3A_531 : vector<512x128xf32>
      %select_n3A_555 = arith.select %lt3A_554, %slice3A_552, %select_n3A_531 : vector<512x128xi1>, vector<512x128xf32>
      %broadcast_in_dim3A_556 = vector.shape_cast %slice3A_553 : vector<1x128xf32> to vector<1x128xf32>
      %broadcast_in_dim3A_557 = vector.broadcast %broadcast_in_dim3A_556 : vector<1x128xf32> to vector<512x128xf32>
      %select_n3A_558 = arith.select %lt3A_554, %broadcast_in_dim3A_557, %select_n3A_534 : vector<512x128xi1>, vector<512x128xf32>
      %select_n3A_559 = arith.select %lt3A_554, %select_n3A_531, %slice3A_552 : vector<512x128xi1>, vector<512x128xf32>
      %broadcast_in_dim3A_560 = vector.shape_cast %slice3A_553 : vector<1x128xf32> to vector<1x128xf32>
      %broadcast_in_dim3A_561 = vector.broadcast %broadcast_in_dim3A_560 : vector<1x128xf32> to vector<512x128xf32>
      %select_n3A_562 = arith.select %lt3A_554, %select_n3A_534, %broadcast_in_dim3A_561 : vector<512x128xi1>, vector<512x128xf32>
      %lt3A_563 = arith.cmpf olt, %select_n3A_559, %select_n3A_540 : vector<512x128xf32>
      %select_n3A_564 = arith.select %lt3A_563, %select_n3A_559, %select_n3A_540 : vector<512x128xi1>, vector<512x128xf32>
      %select_n3A_565 = arith.select %lt3A_563, %select_n3A_562, %select_n3A_541 : vector<512x128xi1>, vector<512x128xf32>
      %select_n3A_566 = arith.select %lt3A_563, %select_n3A_540, %select_n3A_559 : vector<512x128xi1>, vector<512x128xf32>
      %select_n3A_567 = arith.select %lt3A_563, %select_n3A_541, %select_n3A_562 : vector<512x128xi1>, vector<512x128xf32>
      %lt3A_568 = arith.cmpf olt, %select_n3A_566, %select_n3A_545 : vector<512x128xf32>
      %select_n3A_569 = arith.select %lt3A_568, %select_n3A_566, %select_n3A_545 : vector<512x128xi1>, vector<512x128xf32>
      %select_n3A_570 = arith.select %lt3A_568, %select_n3A_567, %select_n3A_546 : vector<512x128xi1>, vector<512x128xf32>
      %select_n3A_571 = arith.select %lt3A_568, %select_n3A_545, %select_n3A_566 : vector<512x128xi1>, vector<512x128xf32>
      %select_n3A_572 = arith.select %lt3A_568, %select_n3A_546, %select_n3A_567 : vector<512x128xi1>, vector<512x128xf32>
      %lt3A_573 = arith.cmpf olt, %select_n3A_571, %select_n3A_550 : vector<512x128xf32>
      %select_n3A_574 = arith.select %lt3A_573, %select_n3A_571, %select_n3A_550 : vector<512x128xi1>, vector<512x128xf32>
      %select_n3A_575 = arith.select %lt3A_573, %select_n3A_572, %select_n3A_551 : vector<512x128xi1>, vector<512x128xf32>
      %slice3A_576 = vector.extract_strided_slice %add3A_49 {offsets = [0, 2816], sizes = [512, 128], strides = [1, 1]} : vector<512x6528xf32> to vector<512x128xf32>
      %slice3A_577 = vector.extract_strided_slice %slice3A_43 {offsets = [0, 2816], sizes = [1, 128], strides = [1, 1]} : vector<1x6528xf32> to vector<1x128xf32>
      %lt3A_578 = arith.cmpf olt, %slice3A_576, %select_n3A_555 : vector<512x128xf32>
      %select_n3A_579 = arith.select %lt3A_578, %slice3A_576, %select_n3A_555 : vector<512x128xi1>, vector<512x128xf32>
      %broadcast_in_dim3A_580 = vector.shape_cast %slice3A_577 : vector<1x128xf32> to vector<1x128xf32>
      %broadcast_in_dim3A_581 = vector.broadcast %broadcast_in_dim3A_580 : vector<1x128xf32> to vector<512x128xf32>
      %select_n3A_582 = arith.select %lt3A_578, %broadcast_in_dim3A_581, %select_n3A_558 : vector<512x128xi1>, vector<512x128xf32>
      %select_n3A_583 = arith.select %lt3A_578, %select_n3A_555, %slice3A_576 : vector<512x128xi1>, vector<512x128xf32>
      %broadcast_in_dim3A_584 = vector.shape_cast %slice3A_577 : vector<1x128xf32> to vector<1x128xf32>
      %broadcast_in_dim3A_585 = vector.broadcast %broadcast_in_dim3A_584 : vector<1x128xf32> to vector<512x128xf32>
      %select_n3A_586 = arith.select %lt3A_578, %select_n3A_558, %broadcast_in_dim3A_585 : vector<512x128xi1>, vector<512x128xf32>
      %lt3A_587 = arith.cmpf olt, %select_n3A_583, %select_n3A_564 : vector<512x128xf32>
      %select_n3A_588 = arith.select %lt3A_587, %select_n3A_583, %select_n3A_564 : vector<512x128xi1>, vector<512x128xf32>
      %select_n3A_589 = arith.select %lt3A_587, %select_n3A_586, %select_n3A_565 : vector<512x128xi1>, vector<512x128xf32>
      %select_n3A_590 = arith.select %lt3A_587, %select_n3A_564, %select_n3A_583 : vector<512x128xi1>, vector<512x128xf32>
      %select_n3A_591 = arith.select %lt3A_587, %select_n3A_565, %select_n3A_586 : vector<512x128xi1>, vector<512x128xf32>
      %lt3A_592 = arith.cmpf olt, %select_n3A_590, %select_n3A_569 : vector<512x128xf32>
      %select_n3A_593 = arith.select %lt3A_592, %select_n3A_590, %select_n3A_569 : vector<512x128xi1>, vector<512x128xf32>
      %select_n3A_594 = arith.select %lt3A_592, %select_n3A_591, %select_n3A_570 : vector<512x128xi1>, vector<512x128xf32>
      %select_n3A_595 = arith.select %lt3A_592, %select_n3A_569, %select_n3A_590 : vector<512x128xi1>, vector<512x128xf32>
      %select_n3A_596 = arith.select %lt3A_592, %select_n3A_570, %select_n3A_591 : vector<512x128xi1>, vector<512x128xf32>
      %lt3A_597 = arith.cmpf olt, %select_n3A_595, %select_n3A_574 : vector<512x128xf32>
      %select_n3A_598 = arith.select %lt3A_597, %select_n3A_595, %select_n3A_574 : vector<512x128xi1>, vector<512x128xf32>
      %select_n3A_599 = arith.select %lt3A_597, %select_n3A_596, %select_n3A_575 : vector<512x128xi1>, vector<512x128xf32>
      %slice3A_600 = vector.extract_strided_slice %add3A_49 {offsets = [0, 2944], sizes = [512, 128], strides = [1, 1]} : vector<512x6528xf32> to vector<512x128xf32>
      %slice3A_601 = vector.extract_strided_slice %slice3A_43 {offsets = [0, 2944], sizes = [1, 128], strides = [1, 1]} : vector<1x6528xf32> to vector<1x128xf32>
      %lt3A_602 = arith.cmpf olt, %slice3A_600, %select_n3A_579 : vector<512x128xf32>
      %select_n3A_603 = arith.select %lt3A_602, %slice3A_600, %select_n3A_579 : vector<512x128xi1>, vector<512x128xf32>
      %broadcast_in_dim3A_604 = vector.shape_cast %slice3A_601 : vector<1x128xf32> to vector<1x128xf32>
      %broadcast_in_dim3A_605 = vector.broadcast %broadcast_in_dim3A_604 : vector<1x128xf32> to vector<512x128xf32>
      %select_n3A_606 = arith.select %lt3A_602, %broadcast_in_dim3A_605, %select_n3A_582 : vector<512x128xi1>, vector<512x128xf32>
      %select_n3A_607 = arith.select %lt3A_602, %select_n3A_579, %slice3A_600 : vector<512x128xi1>, vector<512x128xf32>
      %broadcast_in_dim3A_608 = vector.shape_cast %slice3A_601 : vector<1x128xf32> to vector<1x128xf32>
      %broadcast_in_dim3A_609 = vector.broadcast %broadcast_in_dim3A_608 : vector<1x128xf32> to vector<512x128xf32>
      %select_n3A_610 = arith.select %lt3A_602, %select_n3A_582, %broadcast_in_dim3A_609 : vector<512x128xi1>, vector<512x128xf32>
      %lt3A_611 = arith.cmpf olt, %select_n3A_607, %select_n3A_588 : vector<512x128xf32>
      %select_n3A_612 = arith.select %lt3A_611, %select_n3A_607, %select_n3A_588 : vector<512x128xi1>, vector<512x128xf32>
      %select_n3A_613 = arith.select %lt3A_611, %select_n3A_610, %select_n3A_589 : vector<512x128xi1>, vector<512x128xf32>
      %select_n3A_614 = arith.select %lt3A_611, %select_n3A_588, %select_n3A_607 : vector<512x128xi1>, vector<512x128xf32>
      %select_n3A_615 = arith.select %lt3A_611, %select_n3A_589, %select_n3A_610 : vector<512x128xi1>, vector<512x128xf32>
      %lt3A_616 = arith.cmpf olt, %select_n3A_614, %select_n3A_593 : vector<512x128xf32>
      %select_n3A_617 = arith.select %lt3A_616, %select_n3A_614, %select_n3A_593 : vector<512x128xi1>, vector<512x128xf32>
      %select_n3A_618 = arith.select %lt3A_616, %select_n3A_615, %select_n3A_594 : vector<512x128xi1>, vector<512x128xf32>
      %select_n3A_619 = arith.select %lt3A_616, %select_n3A_593, %select_n3A_614 : vector<512x128xi1>, vector<512x128xf32>
      %select_n3A_620 = arith.select %lt3A_616, %select_n3A_594, %select_n3A_615 : vector<512x128xi1>, vector<512x128xf32>
      %lt3A_621 = arith.cmpf olt, %select_n3A_619, %select_n3A_598 : vector<512x128xf32>
      %select_n3A_622 = arith.select %lt3A_621, %select_n3A_619, %select_n3A_598 : vector<512x128xi1>, vector<512x128xf32>
      %select_n3A_623 = arith.select %lt3A_621, %select_n3A_620, %select_n3A_599 : vector<512x128xi1>, vector<512x128xf32>
      %slice3A_624 = vector.extract_strided_slice %add3A_49 {offsets = [0, 3072], sizes = [512, 128], strides = [1, 1]} : vector<512x6528xf32> to vector<512x128xf32>
      %slice3A_625 = vector.extract_strided_slice %slice3A_43 {offsets = [0, 3072], sizes = [1, 128], strides = [1, 1]} : vector<1x6528xf32> to vector<1x128xf32>
      %lt3A_626 = arith.cmpf olt, %slice3A_624, %select_n3A_603 : vector<512x128xf32>
      %select_n3A_627 = arith.select %lt3A_626, %slice3A_624, %select_n3A_603 : vector<512x128xi1>, vector<512x128xf32>
      %broadcast_in_dim3A_628 = vector.shape_cast %slice3A_625 : vector<1x128xf32> to vector<1x128xf32>
      %broadcast_in_dim3A_629 = vector.broadcast %broadcast_in_dim3A_628 : vector<1x128xf32> to vector<512x128xf32>
      %select_n3A_630 = arith.select %lt3A_626, %broadcast_in_dim3A_629, %select_n3A_606 : vector<512x128xi1>, vector<512x128xf32>
      %select_n3A_631 = arith.select %lt3A_626, %select_n3A_603, %slice3A_624 : vector<512x128xi1>, vector<512x128xf32>
      %broadcast_in_dim3A_632 = vector.shape_cast %slice3A_625 : vector<1x128xf32> to vector<1x128xf32>
      %broadcast_in_dim3A_633 = vector.broadcast %broadcast_in_dim3A_632 : vector<1x128xf32> to vector<512x128xf32>
      %select_n3A_634 = arith.select %lt3A_626, %select_n3A_606, %broadcast_in_dim3A_633 : vector<512x128xi1>, vector<512x128xf32>
      %lt3A_635 = arith.cmpf olt, %select_n3A_631, %select_n3A_612 : vector<512x128xf32>
      %select_n3A_636 = arith.select %lt3A_635, %select_n3A_631, %select_n3A_612 : vector<512x128xi1>, vector<512x128xf32>
      %select_n3A_637 = arith.select %lt3A_635, %select_n3A_634, %select_n3A_613 : vector<512x128xi1>, vector<512x128xf32>
      %select_n3A_638 = arith.select %lt3A_635, %select_n3A_612, %select_n3A_631 : vector<512x128xi1>, vector<512x128xf32>
      %select_n3A_639 = arith.select %lt3A_635, %select_n3A_613, %select_n3A_634 : vector<512x128xi1>, vector<512x128xf32>
      %lt3A_640 = arith.cmpf olt, %select_n3A_638, %select_n3A_617 : vector<512x128xf32>
      %select_n3A_641 = arith.select %lt3A_640, %select_n3A_638, %select_n3A_617 : vector<512x128xi1>, vector<512x128xf32>
      %select_n3A_642 = arith.select %lt3A_640, %select_n3A_639, %select_n3A_618 : vector<512x128xi1>, vector<512x128xf32>
      %select_n3A_643 = arith.select %lt3A_640, %select_n3A_617, %select_n3A_638 : vector<512x128xi1>, vector<512x128xf32>
      %select_n3A_644 = arith.select %lt3A_640, %select_n3A_618, %select_n3A_639 : vector<512x128xi1>, vector<512x128xf32>
      %lt3A_645 = arith.cmpf olt, %select_n3A_643, %select_n3A_622 : vector<512x128xf32>
      %select_n3A_646 = arith.select %lt3A_645, %select_n3A_643, %select_n3A_622 : vector<512x128xi1>, vector<512x128xf32>
      %select_n3A_647 = arith.select %lt3A_645, %select_n3A_644, %select_n3A_623 : vector<512x128xi1>, vector<512x128xf32>
      %slice3A_648 = vector.extract_strided_slice %add3A_49 {offsets = [0, 3200], sizes = [512, 128], strides = [1, 1]} : vector<512x6528xf32> to vector<512x128xf32>
      %slice3A_649 = vector.extract_strided_slice %slice3A_43 {offsets = [0, 3200], sizes = [1, 128], strides = [1, 1]} : vector<1x6528xf32> to vector<1x128xf32>
      %lt3A_650 = arith.cmpf olt, %slice3A_648, %select_n3A_627 : vector<512x128xf32>
      %select_n3A_651 = arith.select %lt3A_650, %slice3A_648, %select_n3A_627 : vector<512x128xi1>, vector<512x128xf32>
      %broadcast_in_dim3A_652 = vector.shape_cast %slice3A_649 : vector<1x128xf32> to vector<1x128xf32>
      %broadcast_in_dim3A_653 = vector.broadcast %broadcast_in_dim3A_652 : vector<1x128xf32> to vector<512x128xf32>
      %select_n3A_654 = arith.select %lt3A_650, %broadcast_in_dim3A_653, %select_n3A_630 : vector<512x128xi1>, vector<512x128xf32>
      %select_n3A_655 = arith.select %lt3A_650, %select_n3A_627, %slice3A_648 : vector<512x128xi1>, vector<512x128xf32>
      %broadcast_in_dim3A_656 = vector.shape_cast %slice3A_649 : vector<1x128xf32> to vector<1x128xf32>
      %broadcast_in_dim3A_657 = vector.broadcast %broadcast_in_dim3A_656 : vector<1x128xf32> to vector<512x128xf32>
      %select_n3A_658 = arith.select %lt3A_650, %select_n3A_630, %broadcast_in_dim3A_657 : vector<512x128xi1>, vector<512x128xf32>
      %lt3A_659 = arith.cmpf olt, %select_n3A_655, %select_n3A_636 : vector<512x128xf32>
      %select_n3A_660 = arith.select %lt3A_659, %select_n3A_655, %select_n3A_636 : vector<512x128xi1>, vector<512x128xf32>
      %select_n3A_661 = arith.select %lt3A_659, %select_n3A_658, %select_n3A_637 : vector<512x128xi1>, vector<512x128xf32>
      %select_n3A_662 = arith.select %lt3A_659, %select_n3A_636, %select_n3A_655 : vector<512x128xi1>, vector<512x128xf32>
      %select_n3A_663 = arith.select %lt3A_659, %select_n3A_637, %select_n3A_658 : vector<512x128xi1>, vector<512x128xf32>
      %lt3A_664 = arith.cmpf olt, %select_n3A_662, %select_n3A_641 : vector<512x128xf32>
      %select_n3A_665 = arith.select %lt3A_664, %select_n3A_662, %select_n3A_641 : vector<512x128xi1>, vector<512x128xf32>
      %select_n3A_666 = arith.select %lt3A_664, %select_n3A_663, %select_n3A_642 : vector<512x128xi1>, vector<512x128xf32>
      %select_n3A_667 = arith.select %lt3A_664, %select_n3A_641, %select_n3A_662 : vector<512x128xi1>, vector<512x128xf32>
      %select_n3A_668 = arith.select %lt3A_664, %select_n3A_642, %select_n3A_663 : vector<512x128xi1>, vector<512x128xf32>
      %lt3A_669 = arith.cmpf olt, %select_n3A_667, %select_n3A_646 : vector<512x128xf32>
      %select_n3A_670 = arith.select %lt3A_669, %select_n3A_667, %select_n3A_646 : vector<512x128xi1>, vector<512x128xf32>
      %select_n3A_671 = arith.select %lt3A_669, %select_n3A_668, %select_n3A_647 : vector<512x128xi1>, vector<512x128xf32>
      %slice3A_672 = vector.extract_strided_slice %add3A_49 {offsets = [0, 3328], sizes = [512, 128], strides = [1, 1]} : vector<512x6528xf32> to vector<512x128xf32>
      %slice3A_673 = vector.extract_strided_slice %slice3A_43 {offsets = [0, 3328], sizes = [1, 128], strides = [1, 1]} : vector<1x6528xf32> to vector<1x128xf32>
      %lt3A_674 = arith.cmpf olt, %slice3A_672, %select_n3A_651 : vector<512x128xf32>
      %select_n3A_675 = arith.select %lt3A_674, %slice3A_672, %select_n3A_651 : vector<512x128xi1>, vector<512x128xf32>
      %broadcast_in_dim3A_676 = vector.shape_cast %slice3A_673 : vector<1x128xf32> to vector<1x128xf32>
      %broadcast_in_dim3A_677 = vector.broadcast %broadcast_in_dim3A_676 : vector<1x128xf32> to vector<512x128xf32>
      %select_n3A_678 = arith.select %lt3A_674, %broadcast_in_dim3A_677, %select_n3A_654 : vector<512x128xi1>, vector<512x128xf32>
      %select_n3A_679 = arith.select %lt3A_674, %select_n3A_651, %slice3A_672 : vector<512x128xi1>, vector<512x128xf32>
      %broadcast_in_dim3A_680 = vector.shape_cast %slice3A_673 : vector<1x128xf32> to vector<1x128xf32>
      %broadcast_in_dim3A_681 = vector.broadcast %broadcast_in_dim3A_680 : vector<1x128xf32> to vector<512x128xf32>
      %select_n3A_682 = arith.select %lt3A_674, %select_n3A_654, %broadcast_in_dim3A_681 : vector<512x128xi1>, vector<512x128xf32>
      %lt3A_683 = arith.cmpf olt, %select_n3A_679, %select_n3A_660 : vector<512x128xf32>
      %select_n3A_684 = arith.select %lt3A_683, %select_n3A_679, %select_n3A_660 : vector<512x128xi1>, vector<512x128xf32>
      %select_n3A_685 = arith.select %lt3A_683, %select_n3A_682, %select_n3A_661 : vector<512x128xi1>, vector<512x128xf32>
      %select_n3A_686 = arith.select %lt3A_683, %select_n3A_660, %select_n3A_679 : vector<512x128xi1>, vector<512x128xf32>
      %select_n3A_687 = arith.select %lt3A_683, %select_n3A_661, %select_n3A_682 : vector<512x128xi1>, vector<512x128xf32>
      %lt3A_688 = arith.cmpf olt, %select_n3A_686, %select_n3A_665 : vector<512x128xf32>
      %select_n3A_689 = arith.select %lt3A_688, %select_n3A_686, %select_n3A_665 : vector<512x128xi1>, vector<512x128xf32>
      %select_n3A_690 = arith.select %lt3A_688, %select_n3A_687, %select_n3A_666 : vector<512x128xi1>, vector<512x128xf32>
      %select_n3A_691 = arith.select %lt3A_688, %select_n3A_665, %select_n3A_686 : vector<512x128xi1>, vector<512x128xf32>
      %select_n3A_692 = arith.select %lt3A_688, %select_n3A_666, %select_n3A_687 : vector<512x128xi1>, vector<512x128xf32>
      %lt3A_693 = arith.cmpf olt, %select_n3A_691, %select_n3A_670 : vector<512x128xf32>
      %select_n3A_694 = arith.select %lt3A_693, %select_n3A_691, %select_n3A_670 : vector<512x128xi1>, vector<512x128xf32>
      %select_n3A_695 = arith.select %lt3A_693, %select_n3A_692, %select_n3A_671 : vector<512x128xi1>, vector<512x128xf32>
      %slice3A_696 = vector.extract_strided_slice %add3A_49 {offsets = [0, 3456], sizes = [512, 128], strides = [1, 1]} : vector<512x6528xf32> to vector<512x128xf32>
      %slice3A_697 = vector.extract_strided_slice %slice3A_43 {offsets = [0, 3456], sizes = [1, 128], strides = [1, 1]} : vector<1x6528xf32> to vector<1x128xf32>
      %lt3A_698 = arith.cmpf olt, %slice3A_696, %select_n3A_675 : vector<512x128xf32>
      %select_n3A_699 = arith.select %lt3A_698, %slice3A_696, %select_n3A_675 : vector<512x128xi1>, vector<512x128xf32>
      %broadcast_in_dim3A_700 = vector.shape_cast %slice3A_697 : vector<1x128xf32> to vector<1x128xf32>
      %broadcast_in_dim3A_701 = vector.broadcast %broadcast_in_dim3A_700 : vector<1x128xf32> to vector<512x128xf32>
      %select_n3A_702 = arith.select %lt3A_698, %broadcast_in_dim3A_701, %select_n3A_678 : vector<512x128xi1>, vector<512x128xf32>
      %select_n3A_703 = arith.select %lt3A_698, %select_n3A_675, %slice3A_696 : vector<512x128xi1>, vector<512x128xf32>
      %broadcast_in_dim3A_704 = vector.shape_cast %slice3A_697 : vector<1x128xf32> to vector<1x128xf32>
      %broadcast_in_dim3A_705 = vector.broadcast %broadcast_in_dim3A_704 : vector<1x128xf32> to vector<512x128xf32>
      %select_n3A_706 = arith.select %lt3A_698, %select_n3A_678, %broadcast_in_dim3A_705 : vector<512x128xi1>, vector<512x128xf32>
      %lt3A_707 = arith.cmpf olt, %select_n3A_703, %select_n3A_684 : vector<512x128xf32>
      %select_n3A_708 = arith.select %lt3A_707, %select_n3A_703, %select_n3A_684 : vector<512x128xi1>, vector<512x128xf32>
      %select_n3A_709 = arith.select %lt3A_707, %select_n3A_706, %select_n3A_685 : vector<512x128xi1>, vector<512x128xf32>
      %select_n3A_710 = arith.select %lt3A_707, %select_n3A_684, %select_n3A_703 : vector<512x128xi1>, vector<512x128xf32>
      %select_n3A_711 = arith.select %lt3A_707, %select_n3A_685, %select_n3A_706 : vector<512x128xi1>, vector<512x128xf32>
      %lt3A_712 = arith.cmpf olt, %select_n3A_710, %select_n3A_689 : vector<512x128xf32>
      %select_n3A_713 = arith.select %lt3A_712, %select_n3A_710, %select_n3A_689 : vector<512x128xi1>, vector<512x128xf32>
      %select_n3A_714 = arith.select %lt3A_712, %select_n3A_711, %select_n3A_690 : vector<512x128xi1>, vector<512x128xf32>
      %select_n3A_715 = arith.select %lt3A_712, %select_n3A_689, %select_n3A_710 : vector<512x128xi1>, vector<512x128xf32>
      %select_n3A_716 = arith.select %lt3A_712, %select_n3A_690, %select_n3A_711 : vector<512x128xi1>, vector<512x128xf32>
      %lt3A_717 = arith.cmpf olt, %select_n3A_715, %select_n3A_694 : vector<512x128xf32>
      %select_n3A_718 = arith.select %lt3A_717, %select_n3A_715, %select_n3A_694 : vector<512x128xi1>, vector<512x128xf32>
      %select_n3A_719 = arith.select %lt3A_717, %select_n3A_716, %select_n3A_695 : vector<512x128xi1>, vector<512x128xf32>
      %slice3A_720 = vector.extract_strided_slice %add3A_49 {offsets = [0, 3584], sizes = [512, 128], strides = [1, 1]} : vector<512x6528xf32> to vector<512x128xf32>
      %slice3A_721 = vector.extract_strided_slice %slice3A_43 {offsets = [0, 3584], sizes = [1, 128], strides = [1, 1]} : vector<1x6528xf32> to vector<1x128xf32>
      %lt3A_722 = arith.cmpf olt, %slice3A_720, %select_n3A_699 : vector<512x128xf32>
      %select_n3A_723 = arith.select %lt3A_722, %slice3A_720, %select_n3A_699 : vector<512x128xi1>, vector<512x128xf32>
      %broadcast_in_dim3A_724 = vector.shape_cast %slice3A_721 : vector<1x128xf32> to vector<1x128xf32>
      %broadcast_in_dim3A_725 = vector.broadcast %broadcast_in_dim3A_724 : vector<1x128xf32> to vector<512x128xf32>
      %select_n3A_726 = arith.select %lt3A_722, %broadcast_in_dim3A_725, %select_n3A_702 : vector<512x128xi1>, vector<512x128xf32>
      %select_n3A_727 = arith.select %lt3A_722, %select_n3A_699, %slice3A_720 : vector<512x128xi1>, vector<512x128xf32>
      %broadcast_in_dim3A_728 = vector.shape_cast %slice3A_721 : vector<1x128xf32> to vector<1x128xf32>
      %broadcast_in_dim3A_729 = vector.broadcast %broadcast_in_dim3A_728 : vector<1x128xf32> to vector<512x128xf32>
      %select_n3A_730 = arith.select %lt3A_722, %select_n3A_702, %broadcast_in_dim3A_729 : vector<512x128xi1>, vector<512x128xf32>
      %lt3A_731 = arith.cmpf olt, %select_n3A_727, %select_n3A_708 : vector<512x128xf32>
      %select_n3A_732 = arith.select %lt3A_731, %select_n3A_727, %select_n3A_708 : vector<512x128xi1>, vector<512x128xf32>
      %select_n3A_733 = arith.select %lt3A_731, %select_n3A_730, %select_n3A_709 : vector<512x128xi1>, vector<512x128xf32>
      %select_n3A_734 = arith.select %lt3A_731, %select_n3A_708, %select_n3A_727 : vector<512x128xi1>, vector<512x128xf32>
      %select_n3A_735 = arith.select %lt3A_731, %select_n3A_709, %select_n3A_730 : vector<512x128xi1>, vector<512x128xf32>
      %lt3A_736 = arith.cmpf olt, %select_n3A_734, %select_n3A_713 : vector<512x128xf32>
      %select_n3A_737 = arith.select %lt3A_736, %select_n3A_734, %select_n3A_713 : vector<512x128xi1>, vector<512x128xf32>
      %select_n3A_738 = arith.select %lt3A_736, %select_n3A_735, %select_n3A_714 : vector<512x128xi1>, vector<512x128xf32>
      %select_n3A_739 = arith.select %lt3A_736, %select_n3A_713, %select_n3A_734 : vector<512x128xi1>, vector<512x128xf32>
      %select_n3A_740 = arith.select %lt3A_736, %select_n3A_714, %select_n3A_735 : vector<512x128xi1>, vector<512x128xf32>
      %lt3A_741 = arith.cmpf olt, %select_n3A_739, %select_n3A_718 : vector<512x128xf32>
      %select_n3A_742 = arith.select %lt3A_741, %select_n3A_739, %select_n3A_718 : vector<512x128xi1>, vector<512x128xf32>
      %select_n3A_743 = arith.select %lt3A_741, %select_n3A_740, %select_n3A_719 : vector<512x128xi1>, vector<512x128xf32>
      %slice3A_744 = vector.extract_strided_slice %add3A_49 {offsets = [0, 3712], sizes = [512, 128], strides = [1, 1]} : vector<512x6528xf32> to vector<512x128xf32>
      %slice3A_745 = vector.extract_strided_slice %slice3A_43 {offsets = [0, 3712], sizes = [1, 128], strides = [1, 1]} : vector<1x6528xf32> to vector<1x128xf32>
      %lt3A_746 = arith.cmpf olt, %slice3A_744, %select_n3A_723 : vector<512x128xf32>
      %select_n3A_747 = arith.select %lt3A_746, %slice3A_744, %select_n3A_723 : vector<512x128xi1>, vector<512x128xf32>
      %broadcast_in_dim3A_748 = vector.shape_cast %slice3A_745 : vector<1x128xf32> to vector<1x128xf32>
      %broadcast_in_dim3A_749 = vector.broadcast %broadcast_in_dim3A_748 : vector<1x128xf32> to vector<512x128xf32>
      %select_n3A_750 = arith.select %lt3A_746, %broadcast_in_dim3A_749, %select_n3A_726 : vector<512x128xi1>, vector<512x128xf32>
      %select_n3A_751 = arith.select %lt3A_746, %select_n3A_723, %slice3A_744 : vector<512x128xi1>, vector<512x128xf32>
      %broadcast_in_dim3A_752 = vector.shape_cast %slice3A_745 : vector<1x128xf32> to vector<1x128xf32>
      %broadcast_in_dim3A_753 = vector.broadcast %broadcast_in_dim3A_752 : vector<1x128xf32> to vector<512x128xf32>
      %select_n3A_754 = arith.select %lt3A_746, %select_n3A_726, %broadcast_in_dim3A_753 : vector<512x128xi1>, vector<512x128xf32>
      %lt3A_755 = arith.cmpf olt, %select_n3A_751, %select_n3A_732 : vector<512x128xf32>
      %select_n3A_756 = arith.select %lt3A_755, %select_n3A_751, %select_n3A_732 : vector<512x128xi1>, vector<512x128xf32>
      %select_n3A_757 = arith.select %lt3A_755, %select_n3A_754, %select_n3A_733 : vector<512x128xi1>, vector<512x128xf32>
      %select_n3A_758 = arith.select %lt3A_755, %select_n3A_732, %select_n3A_751 : vector<512x128xi1>, vector<512x128xf32>
      %select_n3A_759 = arith.select %lt3A_755, %select_n3A_733, %select_n3A_754 : vector<512x128xi1>, vector<512x128xf32>
      %lt3A_760 = arith.cmpf olt, %select_n3A_758, %select_n3A_737 : vector<512x128xf32>
      %select_n3A_761 = arith.select %lt3A_760, %select_n3A_758, %select_n3A_737 : vector<512x128xi1>, vector<512x128xf32>
      %select_n3A_762 = arith.select %lt3A_760, %select_n3A_759, %select_n3A_738 : vector<512x128xi1>, vector<512x128xf32>
      %select_n3A_763 = arith.select %lt3A_760, %select_n3A_737, %select_n3A_758 : vector<512x128xi1>, vector<512x128xf32>
      %select_n3A_764 = arith.select %lt3A_760, %select_n3A_738, %select_n3A_759 : vector<512x128xi1>, vector<512x128xf32>
      %lt3A_765 = arith.cmpf olt, %select_n3A_763, %select_n3A_742 : vector<512x128xf32>
      %select_n3A_766 = arith.select %lt3A_765, %select_n3A_763, %select_n3A_742 : vector<512x128xi1>, vector<512x128xf32>
      %select_n3A_767 = arith.select %lt3A_765, %select_n3A_764, %select_n3A_743 : vector<512x128xi1>, vector<512x128xf32>
      %slice3A_768 = vector.extract_strided_slice %add3A_49 {offsets = [0, 3840], sizes = [512, 128], strides = [1, 1]} : vector<512x6528xf32> to vector<512x128xf32>
      %slice3A_769 = vector.extract_strided_slice %slice3A_43 {offsets = [0, 3840], sizes = [1, 128], strides = [1, 1]} : vector<1x6528xf32> to vector<1x128xf32>
      %lt3A_770 = arith.cmpf olt, %slice3A_768, %select_n3A_747 : vector<512x128xf32>
      %select_n3A_771 = arith.select %lt3A_770, %slice3A_768, %select_n3A_747 : vector<512x128xi1>, vector<512x128xf32>
      %broadcast_in_dim3A_772 = vector.shape_cast %slice3A_769 : vector<1x128xf32> to vector<1x128xf32>
      %broadcast_in_dim3A_773 = vector.broadcast %broadcast_in_dim3A_772 : vector<1x128xf32> to vector<512x128xf32>
      %select_n3A_774 = arith.select %lt3A_770, %broadcast_in_dim3A_773, %select_n3A_750 : vector<512x128xi1>, vector<512x128xf32>
      %select_n3A_775 = arith.select %lt3A_770, %select_n3A_747, %slice3A_768 : vector<512x128xi1>, vector<512x128xf32>
      %broadcast_in_dim3A_776 = vector.shape_cast %slice3A_769 : vector<1x128xf32> to vector<1x128xf32>
      %broadcast_in_dim3A_777 = vector.broadcast %broadcast_in_dim3A_776 : vector<1x128xf32> to vector<512x128xf32>
      %select_n3A_778 = arith.select %lt3A_770, %select_n3A_750, %broadcast_in_dim3A_777 : vector<512x128xi1>, vector<512x128xf32>
      %lt3A_779 = arith.cmpf olt, %select_n3A_775, %select_n3A_756 : vector<512x128xf32>
      %select_n3A_780 = arith.select %lt3A_779, %select_n3A_775, %select_n3A_756 : vector<512x128xi1>, vector<512x128xf32>
      %select_n3A_781 = arith.select %lt3A_779, %select_n3A_778, %select_n3A_757 : vector<512x128xi1>, vector<512x128xf32>
      %select_n3A_782 = arith.select %lt3A_779, %select_n3A_756, %select_n3A_775 : vector<512x128xi1>, vector<512x128xf32>
      %select_n3A_783 = arith.select %lt3A_779, %select_n3A_757, %select_n3A_778 : vector<512x128xi1>, vector<512x128xf32>
      %lt3A_784 = arith.cmpf olt, %select_n3A_782, %select_n3A_761 : vector<512x128xf32>
      %select_n3A_785 = arith.select %lt3A_784, %select_n3A_782, %select_n3A_761 : vector<512x128xi1>, vector<512x128xf32>
      %select_n3A_786 = arith.select %lt3A_784, %select_n3A_783, %select_n3A_762 : vector<512x128xi1>, vector<512x128xf32>
      %select_n3A_787 = arith.select %lt3A_784, %select_n3A_761, %select_n3A_782 : vector<512x128xi1>, vector<512x128xf32>
      %select_n3A_788 = arith.select %lt3A_784, %select_n3A_762, %select_n3A_783 : vector<512x128xi1>, vector<512x128xf32>
      %lt3A_789 = arith.cmpf olt, %select_n3A_787, %select_n3A_766 : vector<512x128xf32>
      %select_n3A_790 = arith.select %lt3A_789, %select_n3A_787, %select_n3A_766 : vector<512x128xi1>, vector<512x128xf32>
      %select_n3A_791 = arith.select %lt3A_789, %select_n3A_788, %select_n3A_767 : vector<512x128xi1>, vector<512x128xf32>
      %slice3A_792 = vector.extract_strided_slice %add3A_49 {offsets = [0, 3968], sizes = [512, 128], strides = [1, 1]} : vector<512x6528xf32> to vector<512x128xf32>
      %slice3A_793 = vector.extract_strided_slice %slice3A_43 {offsets = [0, 3968], sizes = [1, 128], strides = [1, 1]} : vector<1x6528xf32> to vector<1x128xf32>
      %lt3A_794 = arith.cmpf olt, %slice3A_792, %select_n3A_771 : vector<512x128xf32>
      %select_n3A_795 = arith.select %lt3A_794, %slice3A_792, %select_n3A_771 : vector<512x128xi1>, vector<512x128xf32>
      %broadcast_in_dim3A_796 = vector.shape_cast %slice3A_793 : vector<1x128xf32> to vector<1x128xf32>
      %broadcast_in_dim3A_797 = vector.broadcast %broadcast_in_dim3A_796 : vector<1x128xf32> to vector<512x128xf32>
      %select_n3A_798 = arith.select %lt3A_794, %broadcast_in_dim3A_797, %select_n3A_774 : vector<512x128xi1>, vector<512x128xf32>
      %select_n3A_799 = arith.select %lt3A_794, %select_n3A_771, %slice3A_792 : vector<512x128xi1>, vector<512x128xf32>
      %broadcast_in_dim3A_800 = vector.shape_cast %slice3A_793 : vector<1x128xf32> to vector<1x128xf32>
      %broadcast_in_dim3A_801 = vector.broadcast %broadcast_in_dim3A_800 : vector<1x128xf32> to vector<512x128xf32>
      %select_n3A_802 = arith.select %lt3A_794, %select_n3A_774, %broadcast_in_dim3A_801 : vector<512x128xi1>, vector<512x128xf32>
      %lt3A_803 = arith.cmpf olt, %select_n3A_799, %select_n3A_780 : vector<512x128xf32>
      %select_n3A_804 = arith.select %lt3A_803, %select_n3A_799, %select_n3A_780 : vector<512x128xi1>, vector<512x128xf32>
      %select_n3A_805 = arith.select %lt3A_803, %select_n3A_802, %select_n3A_781 : vector<512x128xi1>, vector<512x128xf32>
      %select_n3A_806 = arith.select %lt3A_803, %select_n3A_780, %select_n3A_799 : vector<512x128xi1>, vector<512x128xf32>
      %select_n3A_807 = arith.select %lt3A_803, %select_n3A_781, %select_n3A_802 : vector<512x128xi1>, vector<512x128xf32>
      %lt3A_808 = arith.cmpf olt, %select_n3A_806, %select_n3A_785 : vector<512x128xf32>
      %select_n3A_809 = arith.select %lt3A_808, %select_n3A_806, %select_n3A_785 : vector<512x128xi1>, vector<512x128xf32>
      %select_n3A_810 = arith.select %lt3A_808, %select_n3A_807, %select_n3A_786 : vector<512x128xi1>, vector<512x128xf32>
      %select_n3A_811 = arith.select %lt3A_808, %select_n3A_785, %select_n3A_806 : vector<512x128xi1>, vector<512x128xf32>
      %select_n3A_812 = arith.select %lt3A_808, %select_n3A_786, %select_n3A_807 : vector<512x128xi1>, vector<512x128xf32>
      %lt3A_813 = arith.cmpf olt, %select_n3A_811, %select_n3A_790 : vector<512x128xf32>
      %select_n3A_814 = arith.select %lt3A_813, %select_n3A_811, %select_n3A_790 : vector<512x128xi1>, vector<512x128xf32>
      %select_n3A_815 = arith.select %lt3A_813, %select_n3A_812, %select_n3A_791 : vector<512x128xi1>, vector<512x128xf32>
      %slice3A_816 = vector.extract_strided_slice %add3A_49 {offsets = [0, 4096], sizes = [512, 128], strides = [1, 1]} : vector<512x6528xf32> to vector<512x128xf32>
      %slice3A_817 = vector.extract_strided_slice %slice3A_43 {offsets = [0, 4096], sizes = [1, 128], strides = [1, 1]} : vector<1x6528xf32> to vector<1x128xf32>
      %lt3A_818 = arith.cmpf olt, %slice3A_816, %select_n3A_795 : vector<512x128xf32>
      %select_n3A_819 = arith.select %lt3A_818, %slice3A_816, %select_n3A_795 : vector<512x128xi1>, vector<512x128xf32>
      %broadcast_in_dim3A_820 = vector.shape_cast %slice3A_817 : vector<1x128xf32> to vector<1x128xf32>
      %broadcast_in_dim3A_821 = vector.broadcast %broadcast_in_dim3A_820 : vector<1x128xf32> to vector<512x128xf32>
      %select_n3A_822 = arith.select %lt3A_818, %broadcast_in_dim3A_821, %select_n3A_798 : vector<512x128xi1>, vector<512x128xf32>
      %select_n3A_823 = arith.select %lt3A_818, %select_n3A_795, %slice3A_816 : vector<512x128xi1>, vector<512x128xf32>
      %broadcast_in_dim3A_824 = vector.shape_cast %slice3A_817 : vector<1x128xf32> to vector<1x128xf32>
      %broadcast_in_dim3A_825 = vector.broadcast %broadcast_in_dim3A_824 : vector<1x128xf32> to vector<512x128xf32>
      %select_n3A_826 = arith.select %lt3A_818, %select_n3A_798, %broadcast_in_dim3A_825 : vector<512x128xi1>, vector<512x128xf32>
      %lt3A_827 = arith.cmpf olt, %select_n3A_823, %select_n3A_804 : vector<512x128xf32>
      %select_n3A_828 = arith.select %lt3A_827, %select_n3A_823, %select_n3A_804 : vector<512x128xi1>, vector<512x128xf32>
      %select_n3A_829 = arith.select %lt3A_827, %select_n3A_826, %select_n3A_805 : vector<512x128xi1>, vector<512x128xf32>
      %select_n3A_830 = arith.select %lt3A_827, %select_n3A_804, %select_n3A_823 : vector<512x128xi1>, vector<512x128xf32>
      %select_n3A_831 = arith.select %lt3A_827, %select_n3A_805, %select_n3A_826 : vector<512x128xi1>, vector<512x128xf32>
      %lt3A_832 = arith.cmpf olt, %select_n3A_830, %select_n3A_809 : vector<512x128xf32>
      %select_n3A_833 = arith.select %lt3A_832, %select_n3A_830, %select_n3A_809 : vector<512x128xi1>, vector<512x128xf32>
      %select_n3A_834 = arith.select %lt3A_832, %select_n3A_831, %select_n3A_810 : vector<512x128xi1>, vector<512x128xf32>
      %select_n3A_835 = arith.select %lt3A_832, %select_n3A_809, %select_n3A_830 : vector<512x128xi1>, vector<512x128xf32>
      %select_n3A_836 = arith.select %lt3A_832, %select_n3A_810, %select_n3A_831 : vector<512x128xi1>, vector<512x128xf32>
      %lt3A_837 = arith.cmpf olt, %select_n3A_835, %select_n3A_814 : vector<512x128xf32>
      %select_n3A_838 = arith.select %lt3A_837, %select_n3A_835, %select_n3A_814 : vector<512x128xi1>, vector<512x128xf32>
      %select_n3A_839 = arith.select %lt3A_837, %select_n3A_836, %select_n3A_815 : vector<512x128xi1>, vector<512x128xf32>
      %slice3A_840 = vector.extract_strided_slice %add3A_49 {offsets = [0, 4224], sizes = [512, 128], strides = [1, 1]} : vector<512x6528xf32> to vector<512x128xf32>
      %slice3A_841 = vector.extract_strided_slice %slice3A_43 {offsets = [0, 4224], sizes = [1, 128], strides = [1, 1]} : vector<1x6528xf32> to vector<1x128xf32>
      %lt3A_842 = arith.cmpf olt, %slice3A_840, %select_n3A_819 : vector<512x128xf32>
      %select_n3A_843 = arith.select %lt3A_842, %slice3A_840, %select_n3A_819 : vector<512x128xi1>, vector<512x128xf32>
      %broadcast_in_dim3A_844 = vector.shape_cast %slice3A_841 : vector<1x128xf32> to vector<1x128xf32>
      %broadcast_in_dim3A_845 = vector.broadcast %broadcast_in_dim3A_844 : vector<1x128xf32> to vector<512x128xf32>
      %select_n3A_846 = arith.select %lt3A_842, %broadcast_in_dim3A_845, %select_n3A_822 : vector<512x128xi1>, vector<512x128xf32>
      %select_n3A_847 = arith.select %lt3A_842, %select_n3A_819, %slice3A_840 : vector<512x128xi1>, vector<512x128xf32>
      %broadcast_in_dim3A_848 = vector.shape_cast %slice3A_841 : vector<1x128xf32> to vector<1x128xf32>
      %broadcast_in_dim3A_849 = vector.broadcast %broadcast_in_dim3A_848 : vector<1x128xf32> to vector<512x128xf32>
      %select_n3A_850 = arith.select %lt3A_842, %select_n3A_822, %broadcast_in_dim3A_849 : vector<512x128xi1>, vector<512x128xf32>
      %lt3A_851 = arith.cmpf olt, %select_n3A_847, %select_n3A_828 : vector<512x128xf32>
      %select_n3A_852 = arith.select %lt3A_851, %select_n3A_847, %select_n3A_828 : vector<512x128xi1>, vector<512x128xf32>
      %select_n3A_853 = arith.select %lt3A_851, %select_n3A_850, %select_n3A_829 : vector<512x128xi1>, vector<512x128xf32>
      %select_n3A_854 = arith.select %lt3A_851, %select_n3A_828, %select_n3A_847 : vector<512x128xi1>, vector<512x128xf32>
      %select_n3A_855 = arith.select %lt3A_851, %select_n3A_829, %select_n3A_850 : vector<512x128xi1>, vector<512x128xf32>
      %lt3A_856 = arith.cmpf olt, %select_n3A_854, %select_n3A_833 : vector<512x128xf32>
      %select_n3A_857 = arith.select %lt3A_856, %select_n3A_854, %select_n3A_833 : vector<512x128xi1>, vector<512x128xf32>
      %select_n3A_858 = arith.select %lt3A_856, %select_n3A_855, %select_n3A_834 : vector<512x128xi1>, vector<512x128xf32>
      %select_n3A_859 = arith.select %lt3A_856, %select_n3A_833, %select_n3A_854 : vector<512x128xi1>, vector<512x128xf32>
      %select_n3A_860 = arith.select %lt3A_856, %select_n3A_834, %select_n3A_855 : vector<512x128xi1>, vector<512x128xf32>
      %lt3A_861 = arith.cmpf olt, %select_n3A_859, %select_n3A_838 : vector<512x128xf32>
      %select_n3A_862 = arith.select %lt3A_861, %select_n3A_859, %select_n3A_838 : vector<512x128xi1>, vector<512x128xf32>
      %select_n3A_863 = arith.select %lt3A_861, %select_n3A_860, %select_n3A_839 : vector<512x128xi1>, vector<512x128xf32>
      %slice3A_864 = vector.extract_strided_slice %add3A_49 {offsets = [0, 4352], sizes = [512, 128], strides = [1, 1]} : vector<512x6528xf32> to vector<512x128xf32>
      %slice3A_865 = vector.extract_strided_slice %slice3A_43 {offsets = [0, 4352], sizes = [1, 128], strides = [1, 1]} : vector<1x6528xf32> to vector<1x128xf32>
      %lt3A_866 = arith.cmpf olt, %slice3A_864, %select_n3A_843 : vector<512x128xf32>
      %select_n3A_867 = arith.select %lt3A_866, %slice3A_864, %select_n3A_843 : vector<512x128xi1>, vector<512x128xf32>
      %broadcast_in_dim3A_868 = vector.shape_cast %slice3A_865 : vector<1x128xf32> to vector<1x128xf32>
      %broadcast_in_dim3A_869 = vector.broadcast %broadcast_in_dim3A_868 : vector<1x128xf32> to vector<512x128xf32>
      %select_n3A_870 = arith.select %lt3A_866, %broadcast_in_dim3A_869, %select_n3A_846 : vector<512x128xi1>, vector<512x128xf32>
      %select_n3A_871 = arith.select %lt3A_866, %select_n3A_843, %slice3A_864 : vector<512x128xi1>, vector<512x128xf32>
      %broadcast_in_dim3A_872 = vector.shape_cast %slice3A_865 : vector<1x128xf32> to vector<1x128xf32>
      %broadcast_in_dim3A_873 = vector.broadcast %broadcast_in_dim3A_872 : vector<1x128xf32> to vector<512x128xf32>
      %select_n3A_874 = arith.select %lt3A_866, %select_n3A_846, %broadcast_in_dim3A_873 : vector<512x128xi1>, vector<512x128xf32>
      %lt3A_875 = arith.cmpf olt, %select_n3A_871, %select_n3A_852 : vector<512x128xf32>
      %select_n3A_876 = arith.select %lt3A_875, %select_n3A_871, %select_n3A_852 : vector<512x128xi1>, vector<512x128xf32>
      %select_n3A_877 = arith.select %lt3A_875, %select_n3A_874, %select_n3A_853 : vector<512x128xi1>, vector<512x128xf32>
      %select_n3A_878 = arith.select %lt3A_875, %select_n3A_852, %select_n3A_871 : vector<512x128xi1>, vector<512x128xf32>
      %select_n3A_879 = arith.select %lt3A_875, %select_n3A_853, %select_n3A_874 : vector<512x128xi1>, vector<512x128xf32>
      %lt3A_880 = arith.cmpf olt, %select_n3A_878, %select_n3A_857 : vector<512x128xf32>
      %select_n3A_881 = arith.select %lt3A_880, %select_n3A_878, %select_n3A_857 : vector<512x128xi1>, vector<512x128xf32>
      %select_n3A_882 = arith.select %lt3A_880, %select_n3A_879, %select_n3A_858 : vector<512x128xi1>, vector<512x128xf32>
      %select_n3A_883 = arith.select %lt3A_880, %select_n3A_857, %select_n3A_878 : vector<512x128xi1>, vector<512x128xf32>
      %select_n3A_884 = arith.select %lt3A_880, %select_n3A_858, %select_n3A_879 : vector<512x128xi1>, vector<512x128xf32>
      %lt3A_885 = arith.cmpf olt, %select_n3A_883, %select_n3A_862 : vector<512x128xf32>
      %select_n3A_886 = arith.select %lt3A_885, %select_n3A_883, %select_n3A_862 : vector<512x128xi1>, vector<512x128xf32>
      %select_n3A_887 = arith.select %lt3A_885, %select_n3A_884, %select_n3A_863 : vector<512x128xi1>, vector<512x128xf32>
      %slice3A_888 = vector.extract_strided_slice %add3A_49 {offsets = [0, 4480], sizes = [512, 128], strides = [1, 1]} : vector<512x6528xf32> to vector<512x128xf32>
      %slice3A_889 = vector.extract_strided_slice %slice3A_43 {offsets = [0, 4480], sizes = [1, 128], strides = [1, 1]} : vector<1x6528xf32> to vector<1x128xf32>
      %lt3A_890 = arith.cmpf olt, %slice3A_888, %select_n3A_867 : vector<512x128xf32>
      %select_n3A_891 = arith.select %lt3A_890, %slice3A_888, %select_n3A_867 : vector<512x128xi1>, vector<512x128xf32>
      %broadcast_in_dim3A_892 = vector.shape_cast %slice3A_889 : vector<1x128xf32> to vector<1x128xf32>
      %broadcast_in_dim3A_893 = vector.broadcast %broadcast_in_dim3A_892 : vector<1x128xf32> to vector<512x128xf32>
      %select_n3A_894 = arith.select %lt3A_890, %broadcast_in_dim3A_893, %select_n3A_870 : vector<512x128xi1>, vector<512x128xf32>
      %select_n3A_895 = arith.select %lt3A_890, %select_n3A_867, %slice3A_888 : vector<512x128xi1>, vector<512x128xf32>
      %broadcast_in_dim3A_896 = vector.shape_cast %slice3A_889 : vector<1x128xf32> to vector<1x128xf32>
      %broadcast_in_dim3A_897 = vector.broadcast %broadcast_in_dim3A_896 : vector<1x128xf32> to vector<512x128xf32>
      %select_n3A_898 = arith.select %lt3A_890, %select_n3A_870, %broadcast_in_dim3A_897 : vector<512x128xi1>, vector<512x128xf32>
      %lt3A_899 = arith.cmpf olt, %select_n3A_895, %select_n3A_876 : vector<512x128xf32>
      %select_n3A_900 = arith.select %lt3A_899, %select_n3A_895, %select_n3A_876 : vector<512x128xi1>, vector<512x128xf32>
      %select_n3A_901 = arith.select %lt3A_899, %select_n3A_898, %select_n3A_877 : vector<512x128xi1>, vector<512x128xf32>
      %select_n3A_902 = arith.select %lt3A_899, %select_n3A_876, %select_n3A_895 : vector<512x128xi1>, vector<512x128xf32>
      %select_n3A_903 = arith.select %lt3A_899, %select_n3A_877, %select_n3A_898 : vector<512x128xi1>, vector<512x128xf32>
      %lt3A_904 = arith.cmpf olt, %select_n3A_902, %select_n3A_881 : vector<512x128xf32>
      %select_n3A_905 = arith.select %lt3A_904, %select_n3A_902, %select_n3A_881 : vector<512x128xi1>, vector<512x128xf32>
      %select_n3A_906 = arith.select %lt3A_904, %select_n3A_903, %select_n3A_882 : vector<512x128xi1>, vector<512x128xf32>
      %select_n3A_907 = arith.select %lt3A_904, %select_n3A_881, %select_n3A_902 : vector<512x128xi1>, vector<512x128xf32>
      %select_n3A_908 = arith.select %lt3A_904, %select_n3A_882, %select_n3A_903 : vector<512x128xi1>, vector<512x128xf32>
      %lt3A_909 = arith.cmpf olt, %select_n3A_907, %select_n3A_886 : vector<512x128xf32>
      %select_n3A_910 = arith.select %lt3A_909, %select_n3A_907, %select_n3A_886 : vector<512x128xi1>, vector<512x128xf32>
      %select_n3A_911 = arith.select %lt3A_909, %select_n3A_908, %select_n3A_887 : vector<512x128xi1>, vector<512x128xf32>
      %slice3A_912 = vector.extract_strided_slice %add3A_49 {offsets = [0, 4608], sizes = [512, 128], strides = [1, 1]} : vector<512x6528xf32> to vector<512x128xf32>
      %slice3A_913 = vector.extract_strided_slice %slice3A_43 {offsets = [0, 4608], sizes = [1, 128], strides = [1, 1]} : vector<1x6528xf32> to vector<1x128xf32>
      %lt3A_914 = arith.cmpf olt, %slice3A_912, %select_n3A_891 : vector<512x128xf32>
      %select_n3A_915 = arith.select %lt3A_914, %slice3A_912, %select_n3A_891 : vector<512x128xi1>, vector<512x128xf32>
      %broadcast_in_dim3A_916 = vector.shape_cast %slice3A_913 : vector<1x128xf32> to vector<1x128xf32>
      %broadcast_in_dim3A_917 = vector.broadcast %broadcast_in_dim3A_916 : vector<1x128xf32> to vector<512x128xf32>
      %select_n3A_918 = arith.select %lt3A_914, %broadcast_in_dim3A_917, %select_n3A_894 : vector<512x128xi1>, vector<512x128xf32>
      %select_n3A_919 = arith.select %lt3A_914, %select_n3A_891, %slice3A_912 : vector<512x128xi1>, vector<512x128xf32>
      %broadcast_in_dim3A_920 = vector.shape_cast %slice3A_913 : vector<1x128xf32> to vector<1x128xf32>
      %broadcast_in_dim3A_921 = vector.broadcast %broadcast_in_dim3A_920 : vector<1x128xf32> to vector<512x128xf32>
      %select_n3A_922 = arith.select %lt3A_914, %select_n3A_894, %broadcast_in_dim3A_921 : vector<512x128xi1>, vector<512x128xf32>
      %lt3A_923 = arith.cmpf olt, %select_n3A_919, %select_n3A_900 : vector<512x128xf32>
      %select_n3A_924 = arith.select %lt3A_923, %select_n3A_919, %select_n3A_900 : vector<512x128xi1>, vector<512x128xf32>
      %select_n3A_925 = arith.select %lt3A_923, %select_n3A_922, %select_n3A_901 : vector<512x128xi1>, vector<512x128xf32>
      %select_n3A_926 = arith.select %lt3A_923, %select_n3A_900, %select_n3A_919 : vector<512x128xi1>, vector<512x128xf32>
      %select_n3A_927 = arith.select %lt3A_923, %select_n3A_901, %select_n3A_922 : vector<512x128xi1>, vector<512x128xf32>
      %lt3A_928 = arith.cmpf olt, %select_n3A_926, %select_n3A_905 : vector<512x128xf32>
      %select_n3A_929 = arith.select %lt3A_928, %select_n3A_926, %select_n3A_905 : vector<512x128xi1>, vector<512x128xf32>
      %select_n3A_930 = arith.select %lt3A_928, %select_n3A_927, %select_n3A_906 : vector<512x128xi1>, vector<512x128xf32>
      %select_n3A_931 = arith.select %lt3A_928, %select_n3A_905, %select_n3A_926 : vector<512x128xi1>, vector<512x128xf32>
      %select_n3A_932 = arith.select %lt3A_928, %select_n3A_906, %select_n3A_927 : vector<512x128xi1>, vector<512x128xf32>
      %lt3A_933 = arith.cmpf olt, %select_n3A_931, %select_n3A_910 : vector<512x128xf32>
      %select_n3A_934 = arith.select %lt3A_933, %select_n3A_931, %select_n3A_910 : vector<512x128xi1>, vector<512x128xf32>
      %select_n3A_935 = arith.select %lt3A_933, %select_n3A_932, %select_n3A_911 : vector<512x128xi1>, vector<512x128xf32>
      %slice3A_936 = vector.extract_strided_slice %add3A_49 {offsets = [0, 4736], sizes = [512, 128], strides = [1, 1]} : vector<512x6528xf32> to vector<512x128xf32>
      %slice3A_937 = vector.extract_strided_slice %slice3A_43 {offsets = [0, 4736], sizes = [1, 128], strides = [1, 1]} : vector<1x6528xf32> to vector<1x128xf32>
      %lt3A_938 = arith.cmpf olt, %slice3A_936, %select_n3A_915 : vector<512x128xf32>
      %select_n3A_939 = arith.select %lt3A_938, %slice3A_936, %select_n3A_915 : vector<512x128xi1>, vector<512x128xf32>
      %broadcast_in_dim3A_940 = vector.shape_cast %slice3A_937 : vector<1x128xf32> to vector<1x128xf32>
      %broadcast_in_dim3A_941 = vector.broadcast %broadcast_in_dim3A_940 : vector<1x128xf32> to vector<512x128xf32>
      %select_n3A_942 = arith.select %lt3A_938, %broadcast_in_dim3A_941, %select_n3A_918 : vector<512x128xi1>, vector<512x128xf32>
      %select_n3A_943 = arith.select %lt3A_938, %select_n3A_915, %slice3A_936 : vector<512x128xi1>, vector<512x128xf32>
      %broadcast_in_dim3A_944 = vector.shape_cast %slice3A_937 : vector<1x128xf32> to vector<1x128xf32>
      %broadcast_in_dim3A_945 = vector.broadcast %broadcast_in_dim3A_944 : vector<1x128xf32> to vector<512x128xf32>
      %select_n3A_946 = arith.select %lt3A_938, %select_n3A_918, %broadcast_in_dim3A_945 : vector<512x128xi1>, vector<512x128xf32>
      %lt3A_947 = arith.cmpf olt, %select_n3A_943, %select_n3A_924 : vector<512x128xf32>
      %select_n3A_948 = arith.select %lt3A_947, %select_n3A_943, %select_n3A_924 : vector<512x128xi1>, vector<512x128xf32>
      %select_n3A_949 = arith.select %lt3A_947, %select_n3A_946, %select_n3A_925 : vector<512x128xi1>, vector<512x128xf32>
      %select_n3A_950 = arith.select %lt3A_947, %select_n3A_924, %select_n3A_943 : vector<512x128xi1>, vector<512x128xf32>
      %select_n3A_951 = arith.select %lt3A_947, %select_n3A_925, %select_n3A_946 : vector<512x128xi1>, vector<512x128xf32>
      %lt3A_952 = arith.cmpf olt, %select_n3A_950, %select_n3A_929 : vector<512x128xf32>
      %select_n3A_953 = arith.select %lt3A_952, %select_n3A_950, %select_n3A_929 : vector<512x128xi1>, vector<512x128xf32>
      %select_n3A_954 = arith.select %lt3A_952, %select_n3A_951, %select_n3A_930 : vector<512x128xi1>, vector<512x128xf32>
      %select_n3A_955 = arith.select %lt3A_952, %select_n3A_929, %select_n3A_950 : vector<512x128xi1>, vector<512x128xf32>
      %select_n3A_956 = arith.select %lt3A_952, %select_n3A_930, %select_n3A_951 : vector<512x128xi1>, vector<512x128xf32>
      %lt3A_957 = arith.cmpf olt, %select_n3A_955, %select_n3A_934 : vector<512x128xf32>
      %select_n3A_958 = arith.select %lt3A_957, %select_n3A_955, %select_n3A_934 : vector<512x128xi1>, vector<512x128xf32>
      %select_n3A_959 = arith.select %lt3A_957, %select_n3A_956, %select_n3A_935 : vector<512x128xi1>, vector<512x128xf32>
      %slice3A_960 = vector.extract_strided_slice %add3A_49 {offsets = [0, 4864], sizes = [512, 128], strides = [1, 1]} : vector<512x6528xf32> to vector<512x128xf32>
      %slice3A_961 = vector.extract_strided_slice %slice3A_43 {offsets = [0, 4864], sizes = [1, 128], strides = [1, 1]} : vector<1x6528xf32> to vector<1x128xf32>
      %lt3A_962 = arith.cmpf olt, %slice3A_960, %select_n3A_939 : vector<512x128xf32>
      %select_n3A_963 = arith.select %lt3A_962, %slice3A_960, %select_n3A_939 : vector<512x128xi1>, vector<512x128xf32>
      %broadcast_in_dim3A_964 = vector.shape_cast %slice3A_961 : vector<1x128xf32> to vector<1x128xf32>
      %broadcast_in_dim3A_965 = vector.broadcast %broadcast_in_dim3A_964 : vector<1x128xf32> to vector<512x128xf32>
      %select_n3A_966 = arith.select %lt3A_962, %broadcast_in_dim3A_965, %select_n3A_942 : vector<512x128xi1>, vector<512x128xf32>
      %select_n3A_967 = arith.select %lt3A_962, %select_n3A_939, %slice3A_960 : vector<512x128xi1>, vector<512x128xf32>
      %broadcast_in_dim3A_968 = vector.shape_cast %slice3A_961 : vector<1x128xf32> to vector<1x128xf32>
      %broadcast_in_dim3A_969 = vector.broadcast %broadcast_in_dim3A_968 : vector<1x128xf32> to vector<512x128xf32>
      %select_n3A_970 = arith.select %lt3A_962, %select_n3A_942, %broadcast_in_dim3A_969 : vector<512x128xi1>, vector<512x128xf32>
      %lt3A_971 = arith.cmpf olt, %select_n3A_967, %select_n3A_948 : vector<512x128xf32>
      %select_n3A_972 = arith.select %lt3A_971, %select_n3A_967, %select_n3A_948 : vector<512x128xi1>, vector<512x128xf32>
      %select_n3A_973 = arith.select %lt3A_971, %select_n3A_970, %select_n3A_949 : vector<512x128xi1>, vector<512x128xf32>
      %select_n3A_974 = arith.select %lt3A_971, %select_n3A_948, %select_n3A_967 : vector<512x128xi1>, vector<512x128xf32>
      %select_n3A_975 = arith.select %lt3A_971, %select_n3A_949, %select_n3A_970 : vector<512x128xi1>, vector<512x128xf32>
      %lt3A_976 = arith.cmpf olt, %select_n3A_974, %select_n3A_953 : vector<512x128xf32>
      %select_n3A_977 = arith.select %lt3A_976, %select_n3A_974, %select_n3A_953 : vector<512x128xi1>, vector<512x128xf32>
      %select_n3A_978 = arith.select %lt3A_976, %select_n3A_975, %select_n3A_954 : vector<512x128xi1>, vector<512x128xf32>
      %select_n3A_979 = arith.select %lt3A_976, %select_n3A_953, %select_n3A_974 : vector<512x128xi1>, vector<512x128xf32>
      %select_n3A_980 = arith.select %lt3A_976, %select_n3A_954, %select_n3A_975 : vector<512x128xi1>, vector<512x128xf32>
      %lt3A_981 = arith.cmpf olt, %select_n3A_979, %select_n3A_958 : vector<512x128xf32>
      %select_n3A_982 = arith.select %lt3A_981, %select_n3A_979, %select_n3A_958 : vector<512x128xi1>, vector<512x128xf32>
      %select_n3A_983 = arith.select %lt3A_981, %select_n3A_980, %select_n3A_959 : vector<512x128xi1>, vector<512x128xf32>
      %slice3A_984 = vector.extract_strided_slice %add3A_49 {offsets = [0, 4992], sizes = [512, 128], strides = [1, 1]} : vector<512x6528xf32> to vector<512x128xf32>
      %slice3A_985 = vector.extract_strided_slice %slice3A_43 {offsets = [0, 4992], sizes = [1, 128], strides = [1, 1]} : vector<1x6528xf32> to vector<1x128xf32>
      %lt3A_986 = arith.cmpf olt, %slice3A_984, %select_n3A_963 : vector<512x128xf32>
      %select_n3A_987 = arith.select %lt3A_986, %slice3A_984, %select_n3A_963 : vector<512x128xi1>, vector<512x128xf32>
      %broadcast_in_dim3A_988 = vector.shape_cast %slice3A_985 : vector<1x128xf32> to vector<1x128xf32>
      %broadcast_in_dim3A_989 = vector.broadcast %broadcast_in_dim3A_988 : vector<1x128xf32> to vector<512x128xf32>
      %select_n3A_990 = arith.select %lt3A_986, %broadcast_in_dim3A_989, %select_n3A_966 : vector<512x128xi1>, vector<512x128xf32>
      %select_n3A_991 = arith.select %lt3A_986, %select_n3A_963, %slice3A_984 : vector<512x128xi1>, vector<512x128xf32>
      %broadcast_in_dim3A_992 = vector.shape_cast %slice3A_985 : vector<1x128xf32> to vector<1x128xf32>
      %broadcast_in_dim3A_993 = vector.broadcast %broadcast_in_dim3A_992 : vector<1x128xf32> to vector<512x128xf32>
      %select_n3A_994 = arith.select %lt3A_986, %select_n3A_966, %broadcast_in_dim3A_993 : vector<512x128xi1>, vector<512x128xf32>
      %lt3A_995 = arith.cmpf olt, %select_n3A_991, %select_n3A_972 : vector<512x128xf32>
      %select_n3A_996 = arith.select %lt3A_995, %select_n3A_991, %select_n3A_972 : vector<512x128xi1>, vector<512x128xf32>
      %select_n3A_997 = arith.select %lt3A_995, %select_n3A_994, %select_n3A_973 : vector<512x128xi1>, vector<512x128xf32>
      %select_n3A_998 = arith.select %lt3A_995, %select_n3A_972, %select_n3A_991 : vector<512x128xi1>, vector<512x128xf32>
      %select_n3A_999 = arith.select %lt3A_995, %select_n3A_973, %select_n3A_994 : vector<512x128xi1>, vector<512x128xf32>
      %lt3A_1000 = arith.cmpf olt, %select_n3A_998, %select_n3A_977 : vector<512x128xf32>
      %select_n3A_1001 = arith.select %lt3A_1000, %select_n3A_998, %select_n3A_977 : vector<512x128xi1>, vector<512x128xf32>
      %select_n3A_1002 = arith.select %lt3A_1000, %select_n3A_999, %select_n3A_978 : vector<512x128xi1>, vector<512x128xf32>
      %select_n3A_1003 = arith.select %lt3A_1000, %select_n3A_977, %select_n3A_998 : vector<512x128xi1>, vector<512x128xf32>
      %select_n3A_1004 = arith.select %lt3A_1000, %select_n3A_978, %select_n3A_999 : vector<512x128xi1>, vector<512x128xf32>
      %lt3A_1005 = arith.cmpf olt, %select_n3A_1003, %select_n3A_982 : vector<512x128xf32>
      %select_n3A_1006 = arith.select %lt3A_1005, %select_n3A_1003, %select_n3A_982 : vector<512x128xi1>, vector<512x128xf32>
      %select_n3A_1007 = arith.select %lt3A_1005, %select_n3A_1004, %select_n3A_983 : vector<512x128xi1>, vector<512x128xf32>
      %slice3A_1008 = vector.extract_strided_slice %add3A_49 {offsets = [0, 5120], sizes = [512, 128], strides = [1, 1]} : vector<512x6528xf32> to vector<512x128xf32>
      %slice3A_1009 = vector.extract_strided_slice %slice3A_43 {offsets = [0, 5120], sizes = [1, 128], strides = [1, 1]} : vector<1x6528xf32> to vector<1x128xf32>
      %lt3A_1010 = arith.cmpf olt, %slice3A_1008, %select_n3A_987 : vector<512x128xf32>
      %select_n3A_1011 = arith.select %lt3A_1010, %slice3A_1008, %select_n3A_987 : vector<512x128xi1>, vector<512x128xf32>
      %broadcast_in_dim3A_1012 = vector.shape_cast %slice3A_1009 : vector<1x128xf32> to vector<1x128xf32>
      %broadcast_in_dim3A_1013 = vector.broadcast %broadcast_in_dim3A_1012 : vector<1x128xf32> to vector<512x128xf32>
      %select_n3A_1014 = arith.select %lt3A_1010, %broadcast_in_dim3A_1013, %select_n3A_990 : vector<512x128xi1>, vector<512x128xf32>
      %select_n3A_1015 = arith.select %lt3A_1010, %select_n3A_987, %slice3A_1008 : vector<512x128xi1>, vector<512x128xf32>
      %broadcast_in_dim3A_1016 = vector.shape_cast %slice3A_1009 : vector<1x128xf32> to vector<1x128xf32>
      %broadcast_in_dim3A_1017 = vector.broadcast %broadcast_in_dim3A_1016 : vector<1x128xf32> to vector<512x128xf32>
      %select_n3A_1018 = arith.select %lt3A_1010, %select_n3A_990, %broadcast_in_dim3A_1017 : vector<512x128xi1>, vector<512x128xf32>
      %lt3A_1019 = arith.cmpf olt, %select_n3A_1015, %select_n3A_996 : vector<512x128xf32>
      %select_n3A_1020 = arith.select %lt3A_1019, %select_n3A_1015, %select_n3A_996 : vector<512x128xi1>, vector<512x128xf32>
      %select_n3A_1021 = arith.select %lt3A_1019, %select_n3A_1018, %select_n3A_997 : vector<512x128xi1>, vector<512x128xf32>
      %select_n3A_1022 = arith.select %lt3A_1019, %select_n3A_996, %select_n3A_1015 : vector<512x128xi1>, vector<512x128xf32>
      %select_n3A_1023 = arith.select %lt3A_1019, %select_n3A_997, %select_n3A_1018 : vector<512x128xi1>, vector<512x128xf32>
      %lt3A_1024 = arith.cmpf olt, %select_n3A_1022, %select_n3A_1001 : vector<512x128xf32>
      %select_n3A_1025 = arith.select %lt3A_1024, %select_n3A_1022, %select_n3A_1001 : vector<512x128xi1>, vector<512x128xf32>
      %select_n3A_1026 = arith.select %lt3A_1024, %select_n3A_1023, %select_n3A_1002 : vector<512x128xi1>, vector<512x128xf32>
      %select_n3A_1027 = arith.select %lt3A_1024, %select_n3A_1001, %select_n3A_1022 : vector<512x128xi1>, vector<512x128xf32>
      %select_n3A_1028 = arith.select %lt3A_1024, %select_n3A_1002, %select_n3A_1023 : vector<512x128xi1>, vector<512x128xf32>
      %lt3A_1029 = arith.cmpf olt, %select_n3A_1027, %select_n3A_1006 : vector<512x128xf32>
      %select_n3A_1030 = arith.select %lt3A_1029, %select_n3A_1027, %select_n3A_1006 : vector<512x128xi1>, vector<512x128xf32>
      %select_n3A_1031 = arith.select %lt3A_1029, %select_n3A_1028, %select_n3A_1007 : vector<512x128xi1>, vector<512x128xf32>
      %slice3A_1032 = vector.extract_strided_slice %add3A_49 {offsets = [0, 5248], sizes = [512, 128], strides = [1, 1]} : vector<512x6528xf32> to vector<512x128xf32>
      %slice3A_1033 = vector.extract_strided_slice %slice3A_43 {offsets = [0, 5248], sizes = [1, 128], strides = [1, 1]} : vector<1x6528xf32> to vector<1x128xf32>
      %lt3A_1034 = arith.cmpf olt, %slice3A_1032, %select_n3A_1011 : vector<512x128xf32>
      %select_n3A_1035 = arith.select %lt3A_1034, %slice3A_1032, %select_n3A_1011 : vector<512x128xi1>, vector<512x128xf32>
      %broadcast_in_dim3A_1036 = vector.shape_cast %slice3A_1033 : vector<1x128xf32> to vector<1x128xf32>
      %broadcast_in_dim3A_1037 = vector.broadcast %broadcast_in_dim3A_1036 : vector<1x128xf32> to vector<512x128xf32>
      %select_n3A_1038 = arith.select %lt3A_1034, %broadcast_in_dim3A_1037, %select_n3A_1014 : vector<512x128xi1>, vector<512x128xf32>
      %select_n3A_1039 = arith.select %lt3A_1034, %select_n3A_1011, %slice3A_1032 : vector<512x128xi1>, vector<512x128xf32>
      %broadcast_in_dim3A_1040 = vector.shape_cast %slice3A_1033 : vector<1x128xf32> to vector<1x128xf32>
      %broadcast_in_dim3A_1041 = vector.broadcast %broadcast_in_dim3A_1040 : vector<1x128xf32> to vector<512x128xf32>
      %select_n3A_1042 = arith.select %lt3A_1034, %select_n3A_1014, %broadcast_in_dim3A_1041 : vector<512x128xi1>, vector<512x128xf32>
      %lt3A_1043 = arith.cmpf olt, %select_n3A_1039, %select_n3A_1020 : vector<512x128xf32>
      %select_n3A_1044 = arith.select %lt3A_1043, %select_n3A_1039, %select_n3A_1020 : vector<512x128xi1>, vector<512x128xf32>
      %select_n3A_1045 = arith.select %lt3A_1043, %select_n3A_1042, %select_n3A_1021 : vector<512x128xi1>, vector<512x128xf32>
      %select_n3A_1046 = arith.select %lt3A_1043, %select_n3A_1020, %select_n3A_1039 : vector<512x128xi1>, vector<512x128xf32>
      %select_n3A_1047 = arith.select %lt3A_1043, %select_n3A_1021, %select_n3A_1042 : vector<512x128xi1>, vector<512x128xf32>
      %lt3A_1048 = arith.cmpf olt, %select_n3A_1046, %select_n3A_1025 : vector<512x128xf32>
      %select_n3A_1049 = arith.select %lt3A_1048, %select_n3A_1046, %select_n3A_1025 : vector<512x128xi1>, vector<512x128xf32>
      %select_n3A_1050 = arith.select %lt3A_1048, %select_n3A_1047, %select_n3A_1026 : vector<512x128xi1>, vector<512x128xf32>
      %select_n3A_1051 = arith.select %lt3A_1048, %select_n3A_1025, %select_n3A_1046 : vector<512x128xi1>, vector<512x128xf32>
      %select_n3A_1052 = arith.select %lt3A_1048, %select_n3A_1026, %select_n3A_1047 : vector<512x128xi1>, vector<512x128xf32>
      %lt3A_1053 = arith.cmpf olt, %select_n3A_1051, %select_n3A_1030 : vector<512x128xf32>
      %select_n3A_1054 = arith.select %lt3A_1053, %select_n3A_1051, %select_n3A_1030 : vector<512x128xi1>, vector<512x128xf32>
      %select_n3A_1055 = arith.select %lt3A_1053, %select_n3A_1052, %select_n3A_1031 : vector<512x128xi1>, vector<512x128xf32>
      %slice3A_1056 = vector.extract_strided_slice %add3A_49 {offsets = [0, 5376], sizes = [512, 128], strides = [1, 1]} : vector<512x6528xf32> to vector<512x128xf32>
      %slice3A_1057 = vector.extract_strided_slice %slice3A_43 {offsets = [0, 5376], sizes = [1, 128], strides = [1, 1]} : vector<1x6528xf32> to vector<1x128xf32>
      %lt3A_1058 = arith.cmpf olt, %slice3A_1056, %select_n3A_1035 : vector<512x128xf32>
      %select_n3A_1059 = arith.select %lt3A_1058, %slice3A_1056, %select_n3A_1035 : vector<512x128xi1>, vector<512x128xf32>
      %broadcast_in_dim3A_1060 = vector.shape_cast %slice3A_1057 : vector<1x128xf32> to vector<1x128xf32>
      %broadcast_in_dim3A_1061 = vector.broadcast %broadcast_in_dim3A_1060 : vector<1x128xf32> to vector<512x128xf32>
      %select_n3A_1062 = arith.select %lt3A_1058, %broadcast_in_dim3A_1061, %select_n3A_1038 : vector<512x128xi1>, vector<512x128xf32>
      %select_n3A_1063 = arith.select %lt3A_1058, %select_n3A_1035, %slice3A_1056 : vector<512x128xi1>, vector<512x128xf32>
      %broadcast_in_dim3A_1064 = vector.shape_cast %slice3A_1057 : vector<1x128xf32> to vector<1x128xf32>
      %broadcast_in_dim3A_1065 = vector.broadcast %broadcast_in_dim3A_1064 : vector<1x128xf32> to vector<512x128xf32>
      %select_n3A_1066 = arith.select %lt3A_1058, %select_n3A_1038, %broadcast_in_dim3A_1065 : vector<512x128xi1>, vector<512x128xf32>
      %lt3A_1067 = arith.cmpf olt, %select_n3A_1063, %select_n3A_1044 : vector<512x128xf32>
      %select_n3A_1068 = arith.select %lt3A_1067, %select_n3A_1063, %select_n3A_1044 : vector<512x128xi1>, vector<512x128xf32>
      %select_n3A_1069 = arith.select %lt3A_1067, %select_n3A_1066, %select_n3A_1045 : vector<512x128xi1>, vector<512x128xf32>
      %select_n3A_1070 = arith.select %lt3A_1067, %select_n3A_1044, %select_n3A_1063 : vector<512x128xi1>, vector<512x128xf32>
      %select_n3A_1071 = arith.select %lt3A_1067, %select_n3A_1045, %select_n3A_1066 : vector<512x128xi1>, vector<512x128xf32>
      %lt3A_1072 = arith.cmpf olt, %select_n3A_1070, %select_n3A_1049 : vector<512x128xf32>
      %select_n3A_1073 = arith.select %lt3A_1072, %select_n3A_1070, %select_n3A_1049 : vector<512x128xi1>, vector<512x128xf32>
      %select_n3A_1074 = arith.select %lt3A_1072, %select_n3A_1071, %select_n3A_1050 : vector<512x128xi1>, vector<512x128xf32>
      %select_n3A_1075 = arith.select %lt3A_1072, %select_n3A_1049, %select_n3A_1070 : vector<512x128xi1>, vector<512x128xf32>
      %select_n3A_1076 = arith.select %lt3A_1072, %select_n3A_1050, %select_n3A_1071 : vector<512x128xi1>, vector<512x128xf32>
      %lt3A_1077 = arith.cmpf olt, %select_n3A_1075, %select_n3A_1054 : vector<512x128xf32>
      %select_n3A_1078 = arith.select %lt3A_1077, %select_n3A_1075, %select_n3A_1054 : vector<512x128xi1>, vector<512x128xf32>
      %select_n3A_1079 = arith.select %lt3A_1077, %select_n3A_1076, %select_n3A_1055 : vector<512x128xi1>, vector<512x128xf32>
      %slice3A_1080 = vector.extract_strided_slice %add3A_49 {offsets = [0, 5504], sizes = [512, 128], strides = [1, 1]} : vector<512x6528xf32> to vector<512x128xf32>
      %slice3A_1081 = vector.extract_strided_slice %slice3A_43 {offsets = [0, 5504], sizes = [1, 128], strides = [1, 1]} : vector<1x6528xf32> to vector<1x128xf32>
      %lt3A_1082 = arith.cmpf olt, %slice3A_1080, %select_n3A_1059 : vector<512x128xf32>
      %select_n3A_1083 = arith.select %lt3A_1082, %slice3A_1080, %select_n3A_1059 : vector<512x128xi1>, vector<512x128xf32>
      %broadcast_in_dim3A_1084 = vector.shape_cast %slice3A_1081 : vector<1x128xf32> to vector<1x128xf32>
      %broadcast_in_dim3A_1085 = vector.broadcast %broadcast_in_dim3A_1084 : vector<1x128xf32> to vector<512x128xf32>
      %select_n3A_1086 = arith.select %lt3A_1082, %broadcast_in_dim3A_1085, %select_n3A_1062 : vector<512x128xi1>, vector<512x128xf32>
      %select_n3A_1087 = arith.select %lt3A_1082, %select_n3A_1059, %slice3A_1080 : vector<512x128xi1>, vector<512x128xf32>
      %broadcast_in_dim3A_1088 = vector.shape_cast %slice3A_1081 : vector<1x128xf32> to vector<1x128xf32>
      %broadcast_in_dim3A_1089 = vector.broadcast %broadcast_in_dim3A_1088 : vector<1x128xf32> to vector<512x128xf32>
      %select_n3A_1090 = arith.select %lt3A_1082, %select_n3A_1062, %broadcast_in_dim3A_1089 : vector<512x128xi1>, vector<512x128xf32>
      %lt3A_1091 = arith.cmpf olt, %select_n3A_1087, %select_n3A_1068 : vector<512x128xf32>
      %select_n3A_1092 = arith.select %lt3A_1091, %select_n3A_1087, %select_n3A_1068 : vector<512x128xi1>, vector<512x128xf32>
      %select_n3A_1093 = arith.select %lt3A_1091, %select_n3A_1090, %select_n3A_1069 : vector<512x128xi1>, vector<512x128xf32>
      %select_n3A_1094 = arith.select %lt3A_1091, %select_n3A_1068, %select_n3A_1087 : vector<512x128xi1>, vector<512x128xf32>
      %select_n3A_1095 = arith.select %lt3A_1091, %select_n3A_1069, %select_n3A_1090 : vector<512x128xi1>, vector<512x128xf32>
      %lt3A_1096 = arith.cmpf olt, %select_n3A_1094, %select_n3A_1073 : vector<512x128xf32>
      %select_n3A_1097 = arith.select %lt3A_1096, %select_n3A_1094, %select_n3A_1073 : vector<512x128xi1>, vector<512x128xf32>
      %select_n3A_1098 = arith.select %lt3A_1096, %select_n3A_1095, %select_n3A_1074 : vector<512x128xi1>, vector<512x128xf32>
      %select_n3A_1099 = arith.select %lt3A_1096, %select_n3A_1073, %select_n3A_1094 : vector<512x128xi1>, vector<512x128xf32>
      %select_n3A_1100 = arith.select %lt3A_1096, %select_n3A_1074, %select_n3A_1095 : vector<512x128xi1>, vector<512x128xf32>
      %lt3A_1101 = arith.cmpf olt, %select_n3A_1099, %select_n3A_1078 : vector<512x128xf32>
      %select_n3A_1102 = arith.select %lt3A_1101, %select_n3A_1099, %select_n3A_1078 : vector<512x128xi1>, vector<512x128xf32>
      %select_n3A_1103 = arith.select %lt3A_1101, %select_n3A_1100, %select_n3A_1079 : vector<512x128xi1>, vector<512x128xf32>
      %slice3A_1104 = vector.extract_strided_slice %add3A_49 {offsets = [0, 5632], sizes = [512, 128], strides = [1, 1]} : vector<512x6528xf32> to vector<512x128xf32>
      %slice3A_1105 = vector.extract_strided_slice %slice3A_43 {offsets = [0, 5632], sizes = [1, 128], strides = [1, 1]} : vector<1x6528xf32> to vector<1x128xf32>
      %lt3A_1106 = arith.cmpf olt, %slice3A_1104, %select_n3A_1083 : vector<512x128xf32>
      %select_n3A_1107 = arith.select %lt3A_1106, %slice3A_1104, %select_n3A_1083 : vector<512x128xi1>, vector<512x128xf32>
      %broadcast_in_dim3A_1108 = vector.shape_cast %slice3A_1105 : vector<1x128xf32> to vector<1x128xf32>
      %broadcast_in_dim3A_1109 = vector.broadcast %broadcast_in_dim3A_1108 : vector<1x128xf32> to vector<512x128xf32>
      %select_n3A_1110 = arith.select %lt3A_1106, %broadcast_in_dim3A_1109, %select_n3A_1086 : vector<512x128xi1>, vector<512x128xf32>
      %select_n3A_1111 = arith.select %lt3A_1106, %select_n3A_1083, %slice3A_1104 : vector<512x128xi1>, vector<512x128xf32>
      %broadcast_in_dim3A_1112 = vector.shape_cast %slice3A_1105 : vector<1x128xf32> to vector<1x128xf32>
      %broadcast_in_dim3A_1113 = vector.broadcast %broadcast_in_dim3A_1112 : vector<1x128xf32> to vector<512x128xf32>
      %select_n3A_1114 = arith.select %lt3A_1106, %select_n3A_1086, %broadcast_in_dim3A_1113 : vector<512x128xi1>, vector<512x128xf32>
      %lt3A_1115 = arith.cmpf olt, %select_n3A_1111, %select_n3A_1092 : vector<512x128xf32>
      %select_n3A_1116 = arith.select %lt3A_1115, %select_n3A_1111, %select_n3A_1092 : vector<512x128xi1>, vector<512x128xf32>
      %select_n3A_1117 = arith.select %lt3A_1115, %select_n3A_1114, %select_n3A_1093 : vector<512x128xi1>, vector<512x128xf32>
      %select_n3A_1118 = arith.select %lt3A_1115, %select_n3A_1092, %select_n3A_1111 : vector<512x128xi1>, vector<512x128xf32>
      %select_n3A_1119 = arith.select %lt3A_1115, %select_n3A_1093, %select_n3A_1114 : vector<512x128xi1>, vector<512x128xf32>
      %lt3A_1120 = arith.cmpf olt, %select_n3A_1118, %select_n3A_1097 : vector<512x128xf32>
      %select_n3A_1121 = arith.select %lt3A_1120, %select_n3A_1118, %select_n3A_1097 : vector<512x128xi1>, vector<512x128xf32>
      %select_n3A_1122 = arith.select %lt3A_1120, %select_n3A_1119, %select_n3A_1098 : vector<512x128xi1>, vector<512x128xf32>
      %select_n3A_1123 = arith.select %lt3A_1120, %select_n3A_1097, %select_n3A_1118 : vector<512x128xi1>, vector<512x128xf32>
      %select_n3A_1124 = arith.select %lt3A_1120, %select_n3A_1098, %select_n3A_1119 : vector<512x128xi1>, vector<512x128xf32>
      %lt3A_1125 = arith.cmpf olt, %select_n3A_1123, %select_n3A_1102 : vector<512x128xf32>
      %select_n3A_1126 = arith.select %lt3A_1125, %select_n3A_1123, %select_n3A_1102 : vector<512x128xi1>, vector<512x128xf32>
      %select_n3A_1127 = arith.select %lt3A_1125, %select_n3A_1124, %select_n3A_1103 : vector<512x128xi1>, vector<512x128xf32>
      %slice3A_1128 = vector.extract_strided_slice %add3A_49 {offsets = [0, 5760], sizes = [512, 128], strides = [1, 1]} : vector<512x6528xf32> to vector<512x128xf32>
      %slice3A_1129 = vector.extract_strided_slice %slice3A_43 {offsets = [0, 5760], sizes = [1, 128], strides = [1, 1]} : vector<1x6528xf32> to vector<1x128xf32>
      %lt3A_1130 = arith.cmpf olt, %slice3A_1128, %select_n3A_1107 : vector<512x128xf32>
      %select_n3A_1131 = arith.select %lt3A_1130, %slice3A_1128, %select_n3A_1107 : vector<512x128xi1>, vector<512x128xf32>
      %broadcast_in_dim3A_1132 = vector.shape_cast %slice3A_1129 : vector<1x128xf32> to vector<1x128xf32>
      %broadcast_in_dim3A_1133 = vector.broadcast %broadcast_in_dim3A_1132 : vector<1x128xf32> to vector<512x128xf32>
      %select_n3A_1134 = arith.select %lt3A_1130, %broadcast_in_dim3A_1133, %select_n3A_1110 : vector<512x128xi1>, vector<512x128xf32>
      %select_n3A_1135 = arith.select %lt3A_1130, %select_n3A_1107, %slice3A_1128 : vector<512x128xi1>, vector<512x128xf32>
      %broadcast_in_dim3A_1136 = vector.shape_cast %slice3A_1129 : vector<1x128xf32> to vector<1x128xf32>
      %broadcast_in_dim3A_1137 = vector.broadcast %broadcast_in_dim3A_1136 : vector<1x128xf32> to vector<512x128xf32>
      %select_n3A_1138 = arith.select %lt3A_1130, %select_n3A_1110, %broadcast_in_dim3A_1137 : vector<512x128xi1>, vector<512x128xf32>
      %lt3A_1139 = arith.cmpf olt, %select_n3A_1135, %select_n3A_1116 : vector<512x128xf32>
      %select_n3A_1140 = arith.select %lt3A_1139, %select_n3A_1135, %select_n3A_1116 : vector<512x128xi1>, vector<512x128xf32>
      %select_n3A_1141 = arith.select %lt3A_1139, %select_n3A_1138, %select_n3A_1117 : vector<512x128xi1>, vector<512x128xf32>
      %select_n3A_1142 = arith.select %lt3A_1139, %select_n3A_1116, %select_n3A_1135 : vector<512x128xi1>, vector<512x128xf32>
      %select_n3A_1143 = arith.select %lt3A_1139, %select_n3A_1117, %select_n3A_1138 : vector<512x128xi1>, vector<512x128xf32>
      %lt3A_1144 = arith.cmpf olt, %select_n3A_1142, %select_n3A_1121 : vector<512x128xf32>
      %select_n3A_1145 = arith.select %lt3A_1144, %select_n3A_1142, %select_n3A_1121 : vector<512x128xi1>, vector<512x128xf32>
      %select_n3A_1146 = arith.select %lt3A_1144, %select_n3A_1143, %select_n3A_1122 : vector<512x128xi1>, vector<512x128xf32>
      %select_n3A_1147 = arith.select %lt3A_1144, %select_n3A_1121, %select_n3A_1142 : vector<512x128xi1>, vector<512x128xf32>
      %select_n3A_1148 = arith.select %lt3A_1144, %select_n3A_1122, %select_n3A_1143 : vector<512x128xi1>, vector<512x128xf32>
      %lt3A_1149 = arith.cmpf olt, %select_n3A_1147, %select_n3A_1126 : vector<512x128xf32>
      %select_n3A_1150 = arith.select %lt3A_1149, %select_n3A_1147, %select_n3A_1126 : vector<512x128xi1>, vector<512x128xf32>
      %select_n3A_1151 = arith.select %lt3A_1149, %select_n3A_1148, %select_n3A_1127 : vector<512x128xi1>, vector<512x128xf32>
      %slice3A_1152 = vector.extract_strided_slice %add3A_49 {offsets = [0, 5888], sizes = [512, 128], strides = [1, 1]} : vector<512x6528xf32> to vector<512x128xf32>
      %slice3A_1153 = vector.extract_strided_slice %slice3A_43 {offsets = [0, 5888], sizes = [1, 128], strides = [1, 1]} : vector<1x6528xf32> to vector<1x128xf32>
      %lt3A_1154 = arith.cmpf olt, %slice3A_1152, %select_n3A_1131 : vector<512x128xf32>
      %select_n3A_1155 = arith.select %lt3A_1154, %slice3A_1152, %select_n3A_1131 : vector<512x128xi1>, vector<512x128xf32>
      %broadcast_in_dim3A_1156 = vector.shape_cast %slice3A_1153 : vector<1x128xf32> to vector<1x128xf32>
      %broadcast_in_dim3A_1157 = vector.broadcast %broadcast_in_dim3A_1156 : vector<1x128xf32> to vector<512x128xf32>
      %select_n3A_1158 = arith.select %lt3A_1154, %broadcast_in_dim3A_1157, %select_n3A_1134 : vector<512x128xi1>, vector<512x128xf32>
      %select_n3A_1159 = arith.select %lt3A_1154, %select_n3A_1131, %slice3A_1152 : vector<512x128xi1>, vector<512x128xf32>
      %broadcast_in_dim3A_1160 = vector.shape_cast %slice3A_1153 : vector<1x128xf32> to vector<1x128xf32>
      %broadcast_in_dim3A_1161 = vector.broadcast %broadcast_in_dim3A_1160 : vector<1x128xf32> to vector<512x128xf32>
      %select_n3A_1162 = arith.select %lt3A_1154, %select_n3A_1134, %broadcast_in_dim3A_1161 : vector<512x128xi1>, vector<512x128xf32>
      %lt3A_1163 = arith.cmpf olt, %select_n3A_1159, %select_n3A_1140 : vector<512x128xf32>
      %select_n3A_1164 = arith.select %lt3A_1163, %select_n3A_1159, %select_n3A_1140 : vector<512x128xi1>, vector<512x128xf32>
      %select_n3A_1165 = arith.select %lt3A_1163, %select_n3A_1162, %select_n3A_1141 : vector<512x128xi1>, vector<512x128xf32>
      %select_n3A_1166 = arith.select %lt3A_1163, %select_n3A_1140, %select_n3A_1159 : vector<512x128xi1>, vector<512x128xf32>
      %select_n3A_1167 = arith.select %lt3A_1163, %select_n3A_1141, %select_n3A_1162 : vector<512x128xi1>, vector<512x128xf32>
      %lt3A_1168 = arith.cmpf olt, %select_n3A_1166, %select_n3A_1145 : vector<512x128xf32>
      %select_n3A_1169 = arith.select %lt3A_1168, %select_n3A_1166, %select_n3A_1145 : vector<512x128xi1>, vector<512x128xf32>
      %select_n3A_1170 = arith.select %lt3A_1168, %select_n3A_1167, %select_n3A_1146 : vector<512x128xi1>, vector<512x128xf32>
      %select_n3A_1171 = arith.select %lt3A_1168, %select_n3A_1145, %select_n3A_1166 : vector<512x128xi1>, vector<512x128xf32>
      %select_n3A_1172 = arith.select %lt3A_1168, %select_n3A_1146, %select_n3A_1167 : vector<512x128xi1>, vector<512x128xf32>
      %lt3A_1173 = arith.cmpf olt, %select_n3A_1171, %select_n3A_1150 : vector<512x128xf32>
      %select_n3A_1174 = arith.select %lt3A_1173, %select_n3A_1171, %select_n3A_1150 : vector<512x128xi1>, vector<512x128xf32>
      %select_n3A_1175 = arith.select %lt3A_1173, %select_n3A_1172, %select_n3A_1151 : vector<512x128xi1>, vector<512x128xf32>
      %slice3A_1176 = vector.extract_strided_slice %add3A_49 {offsets = [0, 6016], sizes = [512, 128], strides = [1, 1]} : vector<512x6528xf32> to vector<512x128xf32>
      %slice3A_1177 = vector.extract_strided_slice %slice3A_43 {offsets = [0, 6016], sizes = [1, 128], strides = [1, 1]} : vector<1x6528xf32> to vector<1x128xf32>
      %lt3A_1178 = arith.cmpf olt, %slice3A_1176, %select_n3A_1155 : vector<512x128xf32>
      %select_n3A_1179 = arith.select %lt3A_1178, %slice3A_1176, %select_n3A_1155 : vector<512x128xi1>, vector<512x128xf32>
      %broadcast_in_dim3A_1180 = vector.shape_cast %slice3A_1177 : vector<1x128xf32> to vector<1x128xf32>
      %broadcast_in_dim3A_1181 = vector.broadcast %broadcast_in_dim3A_1180 : vector<1x128xf32> to vector<512x128xf32>
      %select_n3A_1182 = arith.select %lt3A_1178, %broadcast_in_dim3A_1181, %select_n3A_1158 : vector<512x128xi1>, vector<512x128xf32>
      %select_n3A_1183 = arith.select %lt3A_1178, %select_n3A_1155, %slice3A_1176 : vector<512x128xi1>, vector<512x128xf32>
      %broadcast_in_dim3A_1184 = vector.shape_cast %slice3A_1177 : vector<1x128xf32> to vector<1x128xf32>
      %broadcast_in_dim3A_1185 = vector.broadcast %broadcast_in_dim3A_1184 : vector<1x128xf32> to vector<512x128xf32>
      %select_n3A_1186 = arith.select %lt3A_1178, %select_n3A_1158, %broadcast_in_dim3A_1185 : vector<512x128xi1>, vector<512x128xf32>
      %lt3A_1187 = arith.cmpf olt, %select_n3A_1183, %select_n3A_1164 : vector<512x128xf32>
      %select_n3A_1188 = arith.select %lt3A_1187, %select_n3A_1183, %select_n3A_1164 : vector<512x128xi1>, vector<512x128xf32>
      %select_n3A_1189 = arith.select %lt3A_1187, %select_n3A_1186, %select_n3A_1165 : vector<512x128xi1>, vector<512x128xf32>
      %select_n3A_1190 = arith.select %lt3A_1187, %select_n3A_1164, %select_n3A_1183 : vector<512x128xi1>, vector<512x128xf32>
      %select_n3A_1191 = arith.select %lt3A_1187, %select_n3A_1165, %select_n3A_1186 : vector<512x128xi1>, vector<512x128xf32>
      %lt3A_1192 = arith.cmpf olt, %select_n3A_1190, %select_n3A_1169 : vector<512x128xf32>
      %select_n3A_1193 = arith.select %lt3A_1192, %select_n3A_1190, %select_n3A_1169 : vector<512x128xi1>, vector<512x128xf32>
      %select_n3A_1194 = arith.select %lt3A_1192, %select_n3A_1191, %select_n3A_1170 : vector<512x128xi1>, vector<512x128xf32>
      %select_n3A_1195 = arith.select %lt3A_1192, %select_n3A_1169, %select_n3A_1190 : vector<512x128xi1>, vector<512x128xf32>
      %select_n3A_1196 = arith.select %lt3A_1192, %select_n3A_1170, %select_n3A_1191 : vector<512x128xi1>, vector<512x128xf32>
      %lt3A_1197 = arith.cmpf olt, %select_n3A_1195, %select_n3A_1174 : vector<512x128xf32>
      %select_n3A_1198 = arith.select %lt3A_1197, %select_n3A_1195, %select_n3A_1174 : vector<512x128xi1>, vector<512x128xf32>
      %select_n3A_1199 = arith.select %lt3A_1197, %select_n3A_1196, %select_n3A_1175 : vector<512x128xi1>, vector<512x128xf32>
      %slice3A_1200 = vector.extract_strided_slice %add3A_49 {offsets = [0, 6144], sizes = [512, 128], strides = [1, 1]} : vector<512x6528xf32> to vector<512x128xf32>
      %slice3A_1201 = vector.extract_strided_slice %slice3A_43 {offsets = [0, 6144], sizes = [1, 128], strides = [1, 1]} : vector<1x6528xf32> to vector<1x128xf32>
      %lt3A_1202 = arith.cmpf olt, %slice3A_1200, %select_n3A_1179 : vector<512x128xf32>
      %select_n3A_1203 = arith.select %lt3A_1202, %slice3A_1200, %select_n3A_1179 : vector<512x128xi1>, vector<512x128xf32>
      %broadcast_in_dim3A_1204 = vector.shape_cast %slice3A_1201 : vector<1x128xf32> to vector<1x128xf32>
      %broadcast_in_dim3A_1205 = vector.broadcast %broadcast_in_dim3A_1204 : vector<1x128xf32> to vector<512x128xf32>
      %select_n3A_1206 = arith.select %lt3A_1202, %broadcast_in_dim3A_1205, %select_n3A_1182 : vector<512x128xi1>, vector<512x128xf32>
      %select_n3A_1207 = arith.select %lt3A_1202, %select_n3A_1179, %slice3A_1200 : vector<512x128xi1>, vector<512x128xf32>
      %broadcast_in_dim3A_1208 = vector.shape_cast %slice3A_1201 : vector<1x128xf32> to vector<1x128xf32>
      %broadcast_in_dim3A_1209 = vector.broadcast %broadcast_in_dim3A_1208 : vector<1x128xf32> to vector<512x128xf32>
      %select_n3A_1210 = arith.select %lt3A_1202, %select_n3A_1182, %broadcast_in_dim3A_1209 : vector<512x128xi1>, vector<512x128xf32>
      %lt3A_1211 = arith.cmpf olt, %select_n3A_1207, %select_n3A_1188 : vector<512x128xf32>
      %select_n3A_1212 = arith.select %lt3A_1211, %select_n3A_1207, %select_n3A_1188 : vector<512x128xi1>, vector<512x128xf32>
      %select_n3A_1213 = arith.select %lt3A_1211, %select_n3A_1210, %select_n3A_1189 : vector<512x128xi1>, vector<512x128xf32>
      %select_n3A_1214 = arith.select %lt3A_1211, %select_n3A_1188, %select_n3A_1207 : vector<512x128xi1>, vector<512x128xf32>
      %select_n3A_1215 = arith.select %lt3A_1211, %select_n3A_1189, %select_n3A_1210 : vector<512x128xi1>, vector<512x128xf32>
      %lt3A_1216 = arith.cmpf olt, %select_n3A_1214, %select_n3A_1193 : vector<512x128xf32>
      %select_n3A_1217 = arith.select %lt3A_1216, %select_n3A_1214, %select_n3A_1193 : vector<512x128xi1>, vector<512x128xf32>
      %select_n3A_1218 = arith.select %lt3A_1216, %select_n3A_1215, %select_n3A_1194 : vector<512x128xi1>, vector<512x128xf32>
      %select_n3A_1219 = arith.select %lt3A_1216, %select_n3A_1193, %select_n3A_1214 : vector<512x128xi1>, vector<512x128xf32>
      %select_n3A_1220 = arith.select %lt3A_1216, %select_n3A_1194, %select_n3A_1215 : vector<512x128xi1>, vector<512x128xf32>
      %lt3A_1221 = arith.cmpf olt, %select_n3A_1219, %select_n3A_1198 : vector<512x128xf32>
      %select_n3A_1222 = arith.select %lt3A_1221, %select_n3A_1219, %select_n3A_1198 : vector<512x128xi1>, vector<512x128xf32>
      %select_n3A_1223 = arith.select %lt3A_1221, %select_n3A_1220, %select_n3A_1199 : vector<512x128xi1>, vector<512x128xf32>
      %slice3A_1224 = vector.extract_strided_slice %add3A_49 {offsets = [0, 6272], sizes = [512, 128], strides = [1, 1]} : vector<512x6528xf32> to vector<512x128xf32>
      %slice3A_1225 = vector.extract_strided_slice %slice3A_43 {offsets = [0, 6272], sizes = [1, 128], strides = [1, 1]} : vector<1x6528xf32> to vector<1x128xf32>
      %lt3A_1226 = arith.cmpf olt, %slice3A_1224, %select_n3A_1203 : vector<512x128xf32>
      %select_n3A_1227 = arith.select %lt3A_1226, %slice3A_1224, %select_n3A_1203 : vector<512x128xi1>, vector<512x128xf32>
      %broadcast_in_dim3A_1228 = vector.shape_cast %slice3A_1225 : vector<1x128xf32> to vector<1x128xf32>
      %broadcast_in_dim3A_1229 = vector.broadcast %broadcast_in_dim3A_1228 : vector<1x128xf32> to vector<512x128xf32>
      %select_n3A_1230 = arith.select %lt3A_1226, %broadcast_in_dim3A_1229, %select_n3A_1206 : vector<512x128xi1>, vector<512x128xf32>
      %select_n3A_1231 = arith.select %lt3A_1226, %select_n3A_1203, %slice3A_1224 : vector<512x128xi1>, vector<512x128xf32>
      %broadcast_in_dim3A_1232 = vector.shape_cast %slice3A_1225 : vector<1x128xf32> to vector<1x128xf32>
      %broadcast_in_dim3A_1233 = vector.broadcast %broadcast_in_dim3A_1232 : vector<1x128xf32> to vector<512x128xf32>
      %select_n3A_1234 = arith.select %lt3A_1226, %select_n3A_1206, %broadcast_in_dim3A_1233 : vector<512x128xi1>, vector<512x128xf32>
      %lt3A_1235 = arith.cmpf olt, %select_n3A_1231, %select_n3A_1212 : vector<512x128xf32>
      %select_n3A_1236 = arith.select %lt3A_1235, %select_n3A_1231, %select_n3A_1212 : vector<512x128xi1>, vector<512x128xf32>
      %select_n3A_1237 = arith.select %lt3A_1235, %select_n3A_1234, %select_n3A_1213 : vector<512x128xi1>, vector<512x128xf32>
      %select_n3A_1238 = arith.select %lt3A_1235, %select_n3A_1212, %select_n3A_1231 : vector<512x128xi1>, vector<512x128xf32>
      %select_n3A_1239 = arith.select %lt3A_1235, %select_n3A_1213, %select_n3A_1234 : vector<512x128xi1>, vector<512x128xf32>
      %lt3A_1240 = arith.cmpf olt, %select_n3A_1238, %select_n3A_1217 : vector<512x128xf32>
      %select_n3A_1241 = arith.select %lt3A_1240, %select_n3A_1238, %select_n3A_1217 : vector<512x128xi1>, vector<512x128xf32>
      %select_n3A_1242 = arith.select %lt3A_1240, %select_n3A_1239, %select_n3A_1218 : vector<512x128xi1>, vector<512x128xf32>
      %select_n3A_1243 = arith.select %lt3A_1240, %select_n3A_1217, %select_n3A_1238 : vector<512x128xi1>, vector<512x128xf32>
      %select_n3A_1244 = arith.select %lt3A_1240, %select_n3A_1218, %select_n3A_1239 : vector<512x128xi1>, vector<512x128xf32>
      %lt3A_1245 = arith.cmpf olt, %select_n3A_1243, %select_n3A_1222 : vector<512x128xf32>
      %select_n3A_1246 = arith.select %lt3A_1245, %select_n3A_1243, %select_n3A_1222 : vector<512x128xi1>, vector<512x128xf32>
      %select_n3A_1247 = arith.select %lt3A_1245, %select_n3A_1244, %select_n3A_1223 : vector<512x128xi1>, vector<512x128xf32>
      %slice3A_1248 = vector.extract_strided_slice %add3A_49 {offsets = [0, 6400], sizes = [512, 128], strides = [1, 1]} : vector<512x6528xf32> to vector<512x128xf32>
      %slice3A_1249 = vector.extract_strided_slice %slice3A_43 {offsets = [0, 6400], sizes = [1, 128], strides = [1, 1]} : vector<1x6528xf32> to vector<1x128xf32>
      %lt3A_1250 = arith.cmpf olt, %slice3A_1248, %select_n3A_1227 : vector<512x128xf32>
      %select_n3A_1251 = arith.select %lt3A_1250, %slice3A_1248, %select_n3A_1227 : vector<512x128xi1>, vector<512x128xf32>
      %broadcast_in_dim3A_1252 = vector.shape_cast %slice3A_1249 : vector<1x128xf32> to vector<1x128xf32>
      %broadcast_in_dim3A_1253 = vector.broadcast %broadcast_in_dim3A_1252 : vector<1x128xf32> to vector<512x128xf32>
      %select_n3A_1254 = arith.select %lt3A_1250, %broadcast_in_dim3A_1253, %select_n3A_1230 : vector<512x128xi1>, vector<512x128xf32>
      %select_n3A_1255 = arith.select %lt3A_1250, %select_n3A_1227, %slice3A_1248 : vector<512x128xi1>, vector<512x128xf32>
      %broadcast_in_dim3A_1256 = vector.shape_cast %slice3A_1249 : vector<1x128xf32> to vector<1x128xf32>
      %broadcast_in_dim3A_1257 = vector.broadcast %broadcast_in_dim3A_1256 : vector<1x128xf32> to vector<512x128xf32>
      %select_n3A_1258 = arith.select %lt3A_1250, %select_n3A_1230, %broadcast_in_dim3A_1257 : vector<512x128xi1>, vector<512x128xf32>
      %lt3A_1259 = arith.cmpf olt, %select_n3A_1255, %select_n3A_1236 : vector<512x128xf32>
      %select_n3A_1260 = arith.select %lt3A_1259, %select_n3A_1255, %select_n3A_1236 : vector<512x128xi1>, vector<512x128xf32>
      %select_n3A_1261 = arith.select %lt3A_1259, %select_n3A_1258, %select_n3A_1237 : vector<512x128xi1>, vector<512x128xf32>
      %select_n3A_1262 = arith.select %lt3A_1259, %select_n3A_1236, %select_n3A_1255 : vector<512x128xi1>, vector<512x128xf32>
      %select_n3A_1263 = arith.select %lt3A_1259, %select_n3A_1237, %select_n3A_1258 : vector<512x128xi1>, vector<512x128xf32>
      %lt3A_1264 = arith.cmpf olt, %select_n3A_1262, %select_n3A_1241 : vector<512x128xf32>
      %select_n3A_1265 = arith.select %lt3A_1264, %select_n3A_1262, %select_n3A_1241 : vector<512x128xi1>, vector<512x128xf32>
      %select_n3A_1266 = arith.select %lt3A_1264, %select_n3A_1263, %select_n3A_1242 : vector<512x128xi1>, vector<512x128xf32>
      %select_n3A_1267 = arith.select %lt3A_1264, %select_n3A_1241, %select_n3A_1262 : vector<512x128xi1>, vector<512x128xf32>
      %select_n3A_1268 = arith.select %lt3A_1264, %select_n3A_1242, %select_n3A_1263 : vector<512x128xi1>, vector<512x128xf32>
      %lt3A_1269 = arith.cmpf olt, %select_n3A_1267, %select_n3A_1246 : vector<512x128xf32>
      %select_n3A_1270 = arith.select %lt3A_1269, %select_n3A_1267, %select_n3A_1246 : vector<512x128xi1>, vector<512x128xf32>
      %select_n3A_1271 = arith.select %lt3A_1269, %select_n3A_1268, %select_n3A_1247 : vector<512x128xi1>, vector<512x128xf32>
      scf.yield %select_n3A_1251, %select_n3A_1260, %select_n3A_1265, %select_n3A_1270, %select_n3A_1254, %select_n3A_1261, %select_n3A_1266, %select_n3A_1271 : vector<512x128xf32>, vector<512x128xf32>, vector<512x128xf32>, vector<512x128xf32>, vector<512x128xf32>, vector<512x128xf32>, vector<512x128xf32>, vector<512x128xf32>
    }
    %scan3A_11 = arith.constant 8 : i32
    %concatenate3A = tpu.concatenate %scan3A_10#0, %scan3A_10#1, %scan3A_10#2, %scan3A_10#3 in 1 : vector<512x128xf32>, vector<512x128xf32>, vector<512x128xf32>, vector<512x128xf32> -> vector<512x512xf32>
    %concatenate3A_12 = tpu.concatenate %scan3A_10#4, %scan3A_10#5, %scan3A_10#6, %scan3A_10#7 in 1 : vector<512x128xf32>, vector<512x128xf32>, vector<512x128xf32>, vector<512x128xf32> -> vector<512x512xf32>
    %iota3A = tpu.iota {dimensions = array<i32: 1>} : vector<512x512xi32>
    %broadcast_in_dim3A_13 = arith.constant 0.000000e+00 : f32
    %broadcast_in_dim3A_14 = vector.broadcast %broadcast_in_dim3A_13 : f32 to vector<512x1xf32>
    %scan3A_15 = arith.constant 0 : i32
    %scan3A_16 = arith.constant 4 : i32
    %scan3A_17 = arith.addi %scan3A_15, %scan3A_16 : i32
    %scan3A_18 = arith.constant 1 : i32
    %scan3A_19:2 = scf.for %scan3A_25 = %scan3A_15 to %scan3A_17 step %scan3A_18 iter_args(%scan3A_26 = %concatenate3A, %scan3A_27 = %broadcast_in_dim3A_14) -> (vector<512x512xf32>, vector<512x1xf32>)  : i32 {
      %reduce_min3A = arith.constant dense<0x7F800000> : vector<512xf32>
      %reduce_min3A_28 = vector.multi_reduction <minimumf>, %scan3A_26, %reduce_min3A [1] : vector<512x512xf32> to vector<512xf32>
      %broadcast_in_dim3A_29 = vector.shape_cast %reduce_min3A_28 : vector<512xf32> to vector<512x1xf32>
      %eq3A = vector.broadcast %broadcast_in_dim3A_29 : vector<512x1xf32> to vector<512x512xf32>
      %eq3A_30 = arith.cmpf oeq, %scan3A_26, %eq3A : vector<512x512xf32>
      %jit3A = arith.constant 1073741824 : i32
      %broadcast_in_dim3A_31 = vector.broadcast %jit3A : i32 to vector<512x512xi32>
      %select_n3A = arith.select %eq3A_30, %iota3A, %broadcast_in_dim3A_31 : vector<512x512xi1>, vector<512x512xi32>
      %reduce_min3A_32 = arith.constant dense<2147483647> : vector<512xi32>
      %reduce_min3A_33 = vector.multi_reduction <minsi>, %select_n3A, %reduce_min3A_32 [1] : vector<512x512xi32> to vector<512xi32>
      %broadcast_in_dim3A_34 = vector.shape_cast %reduce_min3A_33 : vector<512xi32> to vector<512x1xi32>
      %eq3A_35 = vector.broadcast %broadcast_in_dim3A_34 : vector<512x1xi32> to vector<512x512xi32>
      %eq3A_36 = arith.cmpi eq, %iota3A, %eq3A_35 : vector<512x512xi32>
      %jit3A_37 = arith.constant 0.000000e+00 : f32
      %broadcast_in_dim3A_38 = vector.broadcast %jit3A_37 : f32 to vector<512x512xf32>
      %select_n3A_39 = arith.select %eq3A_36, %concatenate3A_12, %broadcast_in_dim3A_38 : vector<512x512xi1>, vector<512x512xf32>
      %reduce_sum3A_40 = arith.constant dense<0.000000e+00> : vector<512xf32>
      %reduce_sum3A_41 = vector.multi_reduction <add>, %select_n3A_39, %reduce_sum3A_40 [1] : vector<512x512xf32> to vector<512xf32>
      %broadcast_in_dim3A_42 = vector.shape_cast %reduce_sum3A_41 : vector<512xf32> to vector<512x1xf32>
      %add3A = arith.addf %scan3A_27, %broadcast_in_dim3A_42 : vector<512x1xf32>
      %jit3A_43 = arith.constant 3.000000e+38 : f32
      %broadcast_in_dim3A_44 = vector.broadcast %jit3A_43 : f32 to vector<512x512xf32>
      %select_n3A_45 = arith.select %eq3A_36, %broadcast_in_dim3A_44, %scan3A_26 : vector<512x512xi1>, vector<512x512xf32>
      scf.yield %select_n3A_45, %add3A : vector<512x512xf32>, vector<512x1xf32>
    }
    %mul3A_20 = arith.constant 2.500000e-01 : f32
    %mul3A_21 = vector.broadcast %mul3A_20 : f32 to vector<512x1xf32>
    %mul3A_22 = arith.mulf %scan3A_19#1, %mul3A_21 : vector<512x1xf32>
    %swap3A = arith.constant 0 : index
    %swap3A_23 = arith.constant 0 : index
    %swap3A_24 = vector.load %arg3[%swap3A, %swap3A_23] : memref<512x1xf32, #tpu.memory_space<vmem>>, vector<512x1xf32>
    tpu.vector_store %arg3[%swap3A, %swap3A_23], %mul3A_22 {strides = array<i32>} : memref<512x1xf32, #tpu.memory_space<vmem>>, vector<512x1xf32>,
    return
  }
  func.func @transform_0(%arg0: i32) -> (i32, i32) {
    %c0_i32 = arith.constant 0 : i32
    %c0_i32_0 = arith.constant 0 : i32
    return %arg0, %c0_i32 : i32, i32
  }
  func.func @transform_1(%arg0: i32) -> (i32, i32, i32) {
    %c0_i32 = arith.constant 0 : i32
    %c0_i32_0 = arith.constant 0 : i32
    %c0_i32_1 = arith.constant 0 : i32
    %c0_i32_2 = arith.constant 0 : i32
    return %c0_i32, %c0_i32_0, %c0_i32_1 : i32, i32, i32
  }
  func.func @transform_2(%arg0: i32) -> (i32, i32) {
    %c0_i32 = arith.constant 0 : i32
    %c0_i32_0 = arith.constant 0 : i32
    return %arg0, %c0_i32 : i32, i32
  }
}

module attributes {stable_mosaic.version = 14 : i64} {
  func.func @_mlp_body(%arg0: memref<128x16xf32, #tpu.memory_space<vmem>>, %arg1: memref<4096x16xf32, #tpu.memory_space<vmem>>, %arg2: memref<4096x1xf32, #tpu.memory_space<vmem>>, %arg3: memref<16x128xf32, #tpu.memory_space<vmem>>, %arg4: memref<1x128xf32, #tpu.memory_space<vmem>>, %arg5: memref<128x128xf32, #tpu.memory_space<vmem>>, %arg6: memref<1x128xf32, #tpu.memory_space<vmem>>, %arg7: memref<16x128xf32, #tpu.memory_space<vmem>>, %arg8: memref<128x128xf32, #tpu.memory_space<vmem>>, %arg9: memref<1x128xf32, #tpu.memory_space<vmem>>, %arg10: memref<4x128x128xf32, #tpu.memory_space<vmem>>, %arg11: memref<4x1x128xf32, #tpu.memory_space<vmem>>, %arg12: memref<128x128xf32, #tpu.memory_space<vmem>>, %arg13: memref<1x1xf32, #tpu.memory_space<vmem>>, %arg14: memref<1x1xf32, #tpu.memory_space<vmem>>) attributes {dimension_semantics = [], scalar_prefetch = 0 : i64, scratch_operands = 0 : i64, tpu.core_type = #tpu.core_type<tc>} {
    %get3A = arith.constant 0 : index
    %get3A_0 = arith.constant 0 : index
    %get3A_1 = vector.load %arg0[%get3A, %get3A_0] : memref<128x16xf32, #tpu.memory_space<vmem>>, vector<128x16xf32>
    %get3A_2 = arith.constant 0 : index
    %get3A_3 = arith.constant 0 : index
    %get3A_4 = vector.load %arg3[%get3A_2, %get3A_3] : memref<16x128xf32, #tpu.memory_space<vmem>>, vector<16x128xf32>
    %dot_general3A = arith.constant dense<0.000000e+00> : vector<128x128xf32>
    %dot_general3A_5 = tpu.matmul %get3A_1, %get3A_4, %dot_general3A {dimension_numbers = #tpu.dot_dimension_numbers<[1], [0], [0], [1], [0, 0, 1, 1], [], []>, transpose_lhs_hint = false} : vector<128x16xf32>, vector<16x128xf32>, vector<128x128xf32> -> vector<128x128xf32>
    %get3A_6 = arith.constant 0 : index
    %get3A_7 = arith.constant 0 : index
    %get3A_8 = vector.load %arg4[%get3A_6, %get3A_7] : memref<1x128xf32, #tpu.memory_space<vmem>>, vector<1x128xf32>
    %add3A = vector.broadcast %get3A_8 : vector<1x128xf32> to vector<128x128xf32>
    %add3A_9 = arith.addf %dot_general3A_5, %add3A : vector<128x128xf32>
    %max3A = arith.constant 0.000000e+00 : f32
    %max3A_10 = vector.broadcast %max3A : f32 to vector<128x128xf32>
    %max3A_11 = arith.maximumf %add3A_9, %max3A_10 : vector<128x128xf32>
    %get3A_12 = arith.constant 0 : index
    %get3A_13 = arith.constant 0 : index
    %get3A_14 = vector.load %arg5[%get3A_12, %get3A_13] : memref<128x128xf32, #tpu.memory_space<vmem>>, vector<128x128xf32>
    %dot_general3A_15 = arith.constant dense<0.000000e+00> : vector<128x128xf32>
    %dot_general3A_16 = tpu.matmul %max3A_11, %get3A_14, %dot_general3A_15 {dimension_numbers = #tpu.dot_dimension_numbers<[1], [0], [0], [1], [0, 0, 1, 1], [], []>, transpose_lhs_hint = false} : vector<128x128xf32>, vector<128x128xf32>, vector<128x128xf32> -> vector<128x128xf32>
    %get3A_17 = arith.constant 0 : index
    %get3A_18 = arith.constant 0 : index
    %get3A_19 = vector.load %arg6[%get3A_17, %get3A_18] : memref<1x128xf32, #tpu.memory_space<vmem>>, vector<1x128xf32>
    %add3A_20 = vector.broadcast %get3A_19 : vector<1x128xf32> to vector<128x128xf32>
    %add3A_21 = arith.addf %dot_general3A_16, %add3A_20 : vector<128x128xf32>
    %get3A_22 = arith.constant 0 : index
    %get3A_23 = arith.constant 0 : index
    %get3A_24 = vector.load %arg1[%get3A_22, %get3A_23] : memref<4096x16xf32, #tpu.memory_space<vmem>>, vector<4096x16xf32>
    %broadcast_in_dim3A = vector.shape_cast %add3A_21 : vector<128x128xf32> to vector<128x1x128xf32>
    %broadcast_in_dim3A_25 = vector.shape_cast %broadcast_in_dim3A : vector<128x1x128xf32> to vector<128x1x128xf32>
    %broadcast_in_dim3A_26 = vector.broadcast %broadcast_in_dim3A_25 : vector<128x1x128xf32> to vector<128x32x128xf32>
    %reshape3A = vector.shape_cast %broadcast_in_dim3A_26 : vector<128x32x128xf32> to vector<4096x128xf32>
    %broadcast_in_dim3A_27 = vector.shape_cast %get3A_1 : vector<128x16xf32> to vector<128x1x16xf32>
    %broadcast_in_dim3A_28 = vector.shape_cast %broadcast_in_dim3A_27 : vector<128x1x16xf32> to vector<128x1x16xf32>
    %broadcast_in_dim3A_29 = vector.broadcast %broadcast_in_dim3A_28 : vector<128x1x16xf32> to vector<128x32x16xf32>
    %reshape3A_30 = vector.shape_cast %broadcast_in_dim3A_29 : vector<128x32x16xf32> to vector<4096x16xf32>
    %sub3A = arith.subf %get3A_24, %reshape3A_30 : vector<4096x16xf32>
    %get3A_31 = arith.constant 0 : index
    %get3A_32 = arith.constant 0 : index
    %get3A_33 = vector.load %arg7[%get3A_31, %get3A_32] : memref<16x128xf32, #tpu.memory_space<vmem>>, vector<16x128xf32>
    %dot_general3A_34 = arith.constant dense<0.000000e+00> : vector<4096x128xf32>
    %dot_general3A_35 = tpu.matmul %sub3A, %get3A_33, %dot_general3A_34 {dimension_numbers = #tpu.dot_dimension_numbers<[1], [0], [0], [1], [0, 0, 1, 1], [], []>, transpose_lhs_hint = false} : vector<4096x16xf32>, vector<16x128xf32>, vector<4096x128xf32> -> vector<4096x128xf32>
    %get3A_36 = arith.constant 0 : index
    %get3A_37 = arith.constant 0 : index
    %get3A_38 = vector.load %arg8[%get3A_36, %get3A_37] : memref<128x128xf32, #tpu.memory_space<vmem>>, vector<128x128xf32>
    %dot_general3A_39 = arith.constant dense<0.000000e+00> : vector<4096x128xf32>
    %dot_general3A_40 = tpu.matmul %reshape3A, %get3A_38, %dot_general3A_39 {dimension_numbers = #tpu.dot_dimension_numbers<[1], [0], [0], [1], [0, 0, 1, 1], [], []>, transpose_lhs_hint = false} : vector<4096x128xf32>, vector<128x128xf32>, vector<4096x128xf32> -> vector<4096x128xf32>
    %add3A_41 = arith.addf %dot_general3A_35, %dot_general3A_40 : vector<4096x128xf32>
    %get3A_42 = arith.constant 0 : index
    %get3A_43 = arith.constant 0 : index
    %get3A_44 = vector.load %arg9[%get3A_42, %get3A_43] : memref<1x128xf32, #tpu.memory_space<vmem>>, vector<1x128xf32>
    %add3A_45 = vector.broadcast %get3A_44 : vector<1x128xf32> to vector<4096x128xf32>
    %add3A_46 = arith.addf %add3A_41, %add3A_45 : vector<4096x128xf32>
    %max3A_47 = arith.constant 0.000000e+00 : f32
    %max3A_48 = vector.broadcast %max3A_47 : f32 to vector<4096x128xf32>
    %max3A_49 = arith.maximumf %add3A_46, %max3A_48 : vector<4096x128xf32>
    %get3A_50 = arith.constant 0 : index
    %get3A_51 = arith.constant 0 : index
    %get3A_52 = arith.constant 0 : index
    %get3A_53 = vector.load %arg10[%get3A_50, %get3A_51, %get3A_52] : memref<4x128x128xf32, #tpu.memory_space<vmem>>, vector<1x128x128xf32>
    %get3A_54 = vector.shape_cast %get3A_53 : vector<1x128x128xf32> to vector<128x128xf32>
    %dot_general3A_55 = arith.constant dense<0.000000e+00> : vector<4096x128xf32>
    %dot_general3A_56 = tpu.matmul %max3A_49, %get3A_54, %dot_general3A_55 {dimension_numbers = #tpu.dot_dimension_numbers<[1], [0], [0], [1], [0, 0, 1, 1], [], []>, transpose_lhs_hint = false} : vector<4096x128xf32>, vector<128x128xf32>, vector<4096x128xf32> -> vector<4096x128xf32>
    %get3A_57 = arith.constant 0 : index
    %get3A_58 = arith.constant 0 : index
    %get3A_59 = arith.constant 0 : index
    %get3A_60 = vector.load %arg11[%get3A_57, %get3A_58, %get3A_59] : memref<4x1x128xf32, #tpu.memory_space<vmem>>, vector<1x1x128xf32>
    %get3A_61 = vector.shape_cast %get3A_60 : vector<1x1x128xf32> to vector<1x128xf32>
    %add3A_62 = vector.broadcast %get3A_61 : vector<1x128xf32> to vector<4096x128xf32>
    %add3A_63 = arith.addf %dot_general3A_56, %add3A_62 : vector<4096x128xf32>
    %max3A_64 = arith.constant 0.000000e+00 : f32
    %max3A_65 = vector.broadcast %max3A_64 : f32 to vector<4096x128xf32>
    %max3A_66 = arith.maximumf %add3A_63, %max3A_65 : vector<4096x128xf32>
    %add3A_67 = arith.addf %max3A_66, %max3A_49 : vector<4096x128xf32>
    %get3A_68 = arith.constant 1 : index
    %get3A_69 = arith.constant 0 : index
    %get3A_70 = arith.constant 0 : index
    %get3A_71 = vector.load %arg10[%get3A_68, %get3A_69, %get3A_70] : memref<4x128x128xf32, #tpu.memory_space<vmem>>, vector<1x128x128xf32>
    %get3A_72 = vector.shape_cast %get3A_71 : vector<1x128x128xf32> to vector<128x128xf32>
    %dot_general3A_73 = arith.constant dense<0.000000e+00> : vector<4096x128xf32>
    %dot_general3A_74 = tpu.matmul %add3A_67, %get3A_72, %dot_general3A_73 {dimension_numbers = #tpu.dot_dimension_numbers<[1], [0], [0], [1], [0, 0, 1, 1], [], []>, transpose_lhs_hint = false} : vector<4096x128xf32>, vector<128x128xf32>, vector<4096x128xf32> -> vector<4096x128xf32>
    %get3A_75 = arith.constant 1 : index
    %get3A_76 = arith.constant 0 : index
    %get3A_77 = arith.constant 0 : index
    %get3A_78 = vector.load %arg11[%get3A_75, %get3A_76, %get3A_77] : memref<4x1x128xf32, #tpu.memory_space<vmem>>, vector<1x1x128xf32>
    %get3A_79 = vector.shape_cast %get3A_78 : vector<1x1x128xf32> to vector<1x128xf32>
    %add3A_80 = vector.broadcast %get3A_79 : vector<1x128xf32> to vector<4096x128xf32>
    %add3A_81 = arith.addf %dot_general3A_74, %add3A_80 : vector<4096x128xf32>
    %max3A_82 = arith.constant 0.000000e+00 : f32
    %max3A_83 = vector.broadcast %max3A_82 : f32 to vector<4096x128xf32>
    %max3A_84 = arith.maximumf %add3A_81, %max3A_83 : vector<4096x128xf32>
    %add3A_85 = arith.addf %max3A_84, %add3A_67 : vector<4096x128xf32>
    %get3A_86 = arith.constant 2 : index
    %get3A_87 = arith.constant 0 : index
    %get3A_88 = arith.constant 0 : index
    %get3A_89 = vector.load %arg10[%get3A_86, %get3A_87, %get3A_88] : memref<4x128x128xf32, #tpu.memory_space<vmem>>, vector<1x128x128xf32>
    %get3A_90 = vector.shape_cast %get3A_89 : vector<1x128x128xf32> to vector<128x128xf32>
    %dot_general3A_91 = arith.constant dense<0.000000e+00> : vector<4096x128xf32>
    %dot_general3A_92 = tpu.matmul %add3A_85, %get3A_90, %dot_general3A_91 {dimension_numbers = #tpu.dot_dimension_numbers<[1], [0], [0], [1], [0, 0, 1, 1], [], []>, transpose_lhs_hint = false} : vector<4096x128xf32>, vector<128x128xf32>, vector<4096x128xf32> -> vector<4096x128xf32>
    %get3A_93 = arith.constant 2 : index
    %get3A_94 = arith.constant 0 : index
    %get3A_95 = arith.constant 0 : index
    %get3A_96 = vector.load %arg11[%get3A_93, %get3A_94, %get3A_95] : memref<4x1x128xf32, #tpu.memory_space<vmem>>, vector<1x1x128xf32>
    %get3A_97 = vector.shape_cast %get3A_96 : vector<1x1x128xf32> to vector<1x128xf32>
    %add3A_98 = vector.broadcast %get3A_97 : vector<1x128xf32> to vector<4096x128xf32>
    %add3A_99 = arith.addf %dot_general3A_92, %add3A_98 : vector<4096x128xf32>
    %max3A_100 = arith.constant 0.000000e+00 : f32
    %max3A_101 = vector.broadcast %max3A_100 : f32 to vector<4096x128xf32>
    %max3A_102 = arith.maximumf %add3A_99, %max3A_101 : vector<4096x128xf32>
    %add3A_103 = arith.addf %max3A_102, %add3A_85 : vector<4096x128xf32>
    %get3A_104 = arith.constant 3 : index
    %get3A_105 = arith.constant 0 : index
    %get3A_106 = arith.constant 0 : index
    %get3A_107 = vector.load %arg10[%get3A_104, %get3A_105, %get3A_106] : memref<4x128x128xf32, #tpu.memory_space<vmem>>, vector<1x128x128xf32>
    %get3A_108 = vector.shape_cast %get3A_107 : vector<1x128x128xf32> to vector<128x128xf32>
    %dot_general3A_109 = arith.constant dense<0.000000e+00> : vector<4096x128xf32>
    %dot_general3A_110 = tpu.matmul %add3A_103, %get3A_108, %dot_general3A_109 {dimension_numbers = #tpu.dot_dimension_numbers<[1], [0], [0], [1], [0, 0, 1, 1], [], []>, transpose_lhs_hint = false} : vector<4096x128xf32>, vector<128x128xf32>, vector<4096x128xf32> -> vector<4096x128xf32>
    %get3A_111 = arith.constant 3 : index
    %get3A_112 = arith.constant 0 : index
    %get3A_113 = arith.constant 0 : index
    %get3A_114 = vector.load %arg11[%get3A_111, %get3A_112, %get3A_113] : memref<4x1x128xf32, #tpu.memory_space<vmem>>, vector<1x1x128xf32>
    %get3A_115 = vector.shape_cast %get3A_114 : vector<1x1x128xf32> to vector<1x128xf32>
    %add3A_116 = vector.broadcast %get3A_115 : vector<1x128xf32> to vector<4096x128xf32>
    %add3A_117 = arith.addf %dot_general3A_110, %add3A_116 : vector<4096x128xf32>
    %max3A_118 = arith.constant 0.000000e+00 : f32
    %max3A_119 = vector.broadcast %max3A_118 : f32 to vector<4096x128xf32>
    %max3A_120 = arith.maximumf %add3A_117, %max3A_119 : vector<4096x128xf32>
    %add3A_121 = arith.addf %max3A_120, %add3A_103 : vector<4096x128xf32>
    %get3A_122 = arith.constant 0 : index
    %get3A_123 = arith.constant 0 : index
    %get3A_124 = vector.load %arg12[%get3A_122, %get3A_123] : memref<128x128xf32, #tpu.memory_space<vmem>>, vector<128x128xf32>
    %dot_general3A_125 = arith.constant dense<0.000000e+00> : vector<4096x128xf32>
    %dot_general3A_126 = tpu.matmul %add3A_121, %get3A_124, %dot_general3A_125 {dimension_numbers = #tpu.dot_dimension_numbers<[1], [0], [0], [1], [0, 0, 1, 1], [], []>, transpose_lhs_hint = false} : vector<4096x128xf32>, vector<128x128xf32>, vector<4096x128xf32> -> vector<4096x128xf32>
    %iota3A = tpu.iota {dimensions = array<i32: 1>} : vector<4096x128xi32>
    %eq3A = arith.constant 0 : i32
    %eq3A_127 = vector.broadcast %eq3A : i32 to vector<4096x128xi32>
    %eq3A_128 = arith.cmpi eq, %iota3A, %eq3A_127 : vector<4096x128xi32>
    %slice3A = vector.extract_strided_slice %get3A_24 {offsets = [0, 2], sizes = [4096, 1], strides = [1, 1]} : vector<4096x16xf32> to vector<4096x1xf32>
    %get3A_129 = arith.constant 0 : index
    %get3A_130 = arith.constant 0 : index
    %get3A_131 = vector.load %arg2[%get3A_129, %get3A_130] : memref<4096x1xf32, #tpu.memory_space<vmem>>, vector<4096x1xf32>
    %sub3A_132 = arith.subf %get3A_131, %slice3A : vector<4096x1xf32>
    %get3A_133 = arith.constant 0 : index
    %get3A_134 = arith.constant 0 : index
    %get3A_135 = vector.load %arg13[%get3A_133, %get3A_134] : memref<1x1xf32, #tpu.memory_space<vmem>>, vector<1x1xf32>
    %add3A_136 = vector.broadcast %get3A_135 : vector<1x1xf32> to vector<4096x128xf32>
    %add3A_137 = arith.addf %dot_general3A_126, %add3A_136 : vector<4096x128xf32>
    %sub3A_138 = vector.broadcast %sub3A_132 : vector<4096x1xf32> to vector<4096x128xf32>
    %sub3A_139 = arith.subf %sub3A_138, %add3A_137 : vector<4096x128xf32>
    %jit3A = arith.constant 0.000000e+00 : f32
    %broadcast_in_dim3A_140 = vector.broadcast %jit3A : f32 to vector<4096x128xf32>
    %select_n3A = arith.select %eq3A_128, %sub3A_139, %broadcast_in_dim3A_140 : vector<4096x128xi1>, vector<4096x128xf32>
    %mul3A = arith.mulf %select_n3A, %select_n3A : vector<4096x128xf32>
    %reduce_sum3A = vector.shape_cast %mul3A : vector<4096x128xf32> to vector<1x4096x128xf32>
    %reduce_sum3A_141 = arith.constant dense<0.000000e+00> : vector<1xf32>
    %reduce_sum3A_142 = vector.multi_reduction <add>, %reduce_sum3A, %reduce_sum3A_141 [1, 2] : vector<1x4096x128xf32> to vector<1xf32>
    %reduce_sum3A_143 = vector.shape_cast %reduce_sum3A_142 : vector<1xf32> to vector<1x1x1xf32>
    %reduce_sum3A_144 = vector.extract %reduce_sum3A_143[0, 0, 0] : f32 from vector<1x1x1xf32>
    %mul3A_145 = arith.constant 5.000000e-01 : f32
    %mul3A_146 = arith.mulf %mul3A_145, %reduce_sum3A_144 : f32
    %mul3A_147 = arith.constant 1.000000e+02 : f32
    %mul3A_148 = arith.mulf %mul3A_146, %mul3A_147 : f32
    %div3A = arith.constant 4.096000e+03 : f32
    %div3A_149 = arith.divf %mul3A_148, %div3A : f32
    %reshape3A_150 = vector.broadcast %div3A_149 : f32 to vector<1x1xf32>
    %swap3A = arith.constant 0 : index
    %swap3A_151 = arith.constant 0 : index
    %swap3A_152 = vector.load %arg14[%swap3A, %swap3A_151] : memref<1x1xf32, #tpu.memory_space<vmem>>, vector<1x1xf32>
    tpu.vector_store %arg14[%swap3A, %swap3A_151], %reshape3A_150 {strides = array<i32>} : memref<1x1xf32, #tpu.memory_space<vmem>>, vector<1x1xf32>,
    return
  }
}

</mosaic_0001>

<sc_bundles>
// kernel: kernel.6.cloned.1.call-start
scs
__scs_entry_jumppad:
0x0: {  	(pc) =	sbr.rel $0x88, $3  }
0x1: {  	(tag) =	ssettag $0x0;
	lr =	simm.s32 $0x1  }
0x2: {  	[smem:$0x3F95] =	sst lr;
	_ =	strace $0xD0000000  }
0x3: {  	_ = 	snop  }
0x4: {  	_ = 	snop  }
0x5: {  	_ = 	snop  }
0x6: {  	_ = 	snop  }
0x7: {  	_ = 	snop  }
__scs_overlays_trampoline_lowered:
0x8: {  	[smem:$0x3FA4] =	sst s0  }
0x9: {  	[smem:$0x3FA5] =	sst s1  }
0xa: {  	[smem:$0x3FA6] =	sst s2  }
0xb: {  	[smem:$0x3FA7] =	sst s3  }
0xc: {  	[smem:$0x3FA8] =	sst s4  }
0xd: {  	[smem:$0x3FA9] =	sst s5  }
0xe: {  	[smem:$0x3FAA] =	sst s6  }
0xf: {  	[smem:$0x3FAB] =	sst s7  }
0x10: {  	[smem:$0x3FAC] =	sst s8  }
0x11: {  	[smem:$0x3FAD] =	sst s9;
	s0 =	simm.s32 @!p0 $0x0  }
0x12: {  	s1 =	sld [smem:$0x3F93];
	s0 =	simm.s32 @p0 $0x1  }
0x13: {  	[smem:$0x3FAE] =	sst s0;
	s0 =	simm.s32 @!p1 $0x0  }
0x14: {  	s2 =	sld [smem:$0x3F92];
	s0 =	simm.s32 @p1 $0x1  }
0x15: {  	[smem:$0x3FAF] =	sst s0;
	s0 =	simm.s32 @!p2 $0x0  }
0x16: {  	s3 =	sld [smem:$0x3FDB];
	s0 =	simm.s32 @p2 $0x1  }
0x17: {  	s4 =	simm.s32 $0x1BF5;
	[smem:$0x3FB1] =	sst s0  }
0x18: {  	s0 =	sld [smem:$0x3F94];
	_ =	swait.ge [sflag:s4], $0x0  }
0x19: {  	s7 =	sld [smem:$0x3F95]  }
0x1a: {  	s8 =	sadd.s32 $0xFFFFE003, lr  }
0x1b: {  	s9 =	sadd.s32 $0xFFFFFEF7, lr;
	s5 =	simm.s32 $0xFFFFFFFF;
	p2 =	slt.u32 s8, $0xFFFFF086  }
0x1c: {  	p1 =	slt.u32 s9, $0xF7A;
	s5 =	simm.s32 @!p2 $0x0  }
0x1d: {  	s5 =	simm.s32 @p1 $0x1;
	p0 =	seq.s32 s7, s2  }
0x1e: {  	s7 =	smul.u32 @!p0 $0xF7A, s2;
	p2 =	seq.s32 @!p0 s5, $0x0  }
0x1f: {  	s9 =	smul.u32 $0xF7A, s1;
	s8 =	simm.s32 @!p0 $0x1BF5;
	p2 =	por !p2, p0  }
0x20: {  	[sflag:s8] =	ssyncset.s32 @!p0 $0xFFFFF086;
	s6 =	sadd.s32 @!p0 s3, s7;
	s7 =	simm.s32 @!p0 $0x108  }
0x21: {  	s3 =	sadd.s32 s3, s9;
	s6 =	sadd.s32 @!p0 $0x88, s6;
	s7 =	simm.s32 @p2 $0x1082  }
0x22: {  	[simem:s7], [sflag:s8] =	dma.local @!p0 [hbm:s6], $0xF7A  }
0x23: {  	s9 =	sor.u32 $0xD0000000, s2;
	s6 =	simm.s32 $0x108;
	_ =	swait.ge @!p0 [sflag:s8], $0x0  }
0x24: {  	s3 =	sadd.s32 $0x88, s3;
	s6 =	simm.s32 @!p1 $0x1082;
	[sflag:s4] =	ssyncset.s32 $0xFFFFF086  }
0x25: {  	[simem:s6], [sflag:s4] =	dma.local [hbm:s3], $0xF7A  }
0x26: {  	[smem:$0x3F95] =	sst s1;
	(tag) =	ssettag s2;
	_ =	strace s9  }
0x27: {  	s1 =	sld [smem:$0x3FA5]  }
0x28: {  	s2 =	sld [smem:$0x3FA6]  }
0x29: {  	s4 =	sld [smem:$0x3FA8]  }
0x2a: {  	p0 =	seq.s32 s5, $0x0;
	s5 =	sld [smem:$0x3FA9]  }
0x2b: {  	s6 =	sld [smem:$0x3FAA]  }
0x2c: {  	s7 =	sld [smem:$0x3FAB]  }
0x2d: {  	s3 =	simm.s32 $0x108;
	s8 =	sld [smem:$0x3FAC]  }
0x2e: {  	s3 =	simm.s32 @!p0 $0x1082;
	s9 =	sld [smem:$0x3FAD]  }
0x2f: {  	lr =	sadd.s32 s0, s3;
	s0 =	sld [smem:$0x3FA4]  }
0x30: {  	s3 =	sld [smem:$0x3FA7]  }
0x31: {  	[smem:$0x3FB0] =	sst s10  }
0x32: {  	s10 =	sld [smem:$0x3FAE];
	_ =	sdelay $0x3  }
0x33: {  	p0 =	seq.s32 s10, $0x1;
	s10 =	sld [smem:$0x3FB0];
	_ =	sdelay $0x3  }
0x34: {  	[smem:$0x3FB0] =	sst s10  }
0x35: {  	s10 =	sld [smem:$0x3FAF];
	_ =	sdelay $0x3  }
0x36: {  	p1 =	seq.s32 s10, $0x1;
	s10 =	sld [smem:$0x3FB0];
	_ =	sdelay $0x3  }
0x37: {  	[smem:$0x3FB0] =	sst s10  }
0x38: {  	s10 =	sld [smem:$0x3FB1]  }
0x39: {  	_ = 	snop;
	(pc) =	sbr.ind lr, $3  }
0x3a: {  	_ = 	snop  }
0x3b: {  	_ = 	snop  }
0x3c: {  	p2 =	seq.s32 s10, $0x1;
	s10 =	sld [smem:$0x3FB0]  }
0x3d: {  	_ =	shalt  }
0x3e: {  	_ =	shalt  }
0x3f: {  	_ =	shalt  }
0x40: {  	_ =	shalt  }
0x41: {  	_ =	shalt  }
0x42: {  	_ =	shalt  }
0x43: {  	_ =	shalt  }
0x44: {  	_ =	shalt  }
0x45: {  	_ =	shalt  }
0x46: {  	_ =	shalt  }
0x47: {  	_ =	shalt  }
0x48: {  	_ =	shalt  }
0x49: {  	_ =	shalt  }
0x4a: {  	_ =	shalt  }
0x4b: {  	_ =	shalt  }
0x4c: {  	_ =	shalt  }
0x4d: {  	_ =	shalt  }
0x4e: {  	_ =	shalt  }
0x4f: {  	_ =	shalt  }
0x50: {  	_ =	shalt  }
0x51: {  	_ =	shalt  }
0x52: {  	_ =	shalt  }
0x53: {  	_ =	shalt  }
0x54: {  	_ =	shalt  }
0x55: {  	_ =	shalt  }
0x56: {  	_ =	shalt  }
0x57: {  	_ =	shalt  }
0x58: {  	_ =	shalt  }
0x59: {  	_ =	shalt  }
0x5a: {  	_ =	shalt  }
0x5b: {  	_ =	shalt  }
0x5c: {  	_ =	shalt  }
0x5d: {  	_ =	shalt  }
0x5e: {  	_ =	shalt  }
0x5f: {  	_ =	shalt  }
0x60: {  	_ =	shalt  }
0x61: {  	_ =	shalt  }
0x62: {  	_ =	shalt  }
0x63: {  	_ =	shalt  }
0x64: {  	_ =	shalt  }
0x65: {  	_ =	shalt  }
0x66: {  	_ =	shalt  }
0x67: {  	_ =	shalt  }
0x68: {  	_ =	shalt  }
0x69: {  	_ =	shalt  }
0x6a: {  	_ =	shalt  }
0x6b: {  	_ =	shalt  }
0x6c: {  	_ =	shalt  }
0x6d: {  	_ =	shalt  }
0x6e: {  	_ =	shalt  }
0x6f: {  	_ =	shalt  }
0x70: {  	_ =	shalt  }
0x71: {  	_ =	shalt  }
0x72: {  	_ =	shalt  }
0x73: {  	_ =	shalt  }
0x74: {  	_ =	shalt  }
0x75: {  	_ =	shalt  }
0x76: {  	_ =	shalt  }
0x77: {  	_ =	shalt  }
0x78: {  	_ =	shalt  }
0x79: {  	_ =	shalt  }
0x7a: {  	_ =	shalt  }
0x7b: {  	_ =	shalt  }
0x7c: {  	_ =	shalt  }
0x7d: {  	_ =	shalt  }
0x7e: {  	_ =	shalt  }
0x7f: {  	_ =	shalt  }
0x80: {  	_ =	shalt  }
0x81: {  	_ =	shalt  }
0x82: {  	_ =	shalt  }
0x83: {  	_ =	shalt  }
0x84: {  	_ =	shalt  }
0x85: {  	_ =	shalt  }
0x86: {  	_ =	shalt  }
0x87: {  	_ =	shalt  }
.Lfunc_end0:
.L_simem_size_0:
called_computation_lowered:
.L_overlay_start_0:
0x88: {  	s2 =	sld [smem:$0x3FD9]  }
0x89: {  	s3 =	sld [smem:$0x3FFE];
	_ =	sdelay $0x1  }
0x8a: {  	s1 =	srdreg.scid  }
0x8b: {  	s0 =	sand.u32 $0x1, s1  }
0x8c: {  	s16 =	sshll.u32 s0, $0xA;
	s2 =	sadd.s32 s3, s2  }
0x8d: {  	s2 =	sadd.s32 s2, s16  }
0x8e: {  	[smem:$0x3FBC] =	sst s2  }
0x8f: {  	_ = 	snop  }
0x90: {  	(tm) =	ssettm $0x1  }
0x91: {  	s17 =	sld [smem:$0x3FFB];
	_ =	sdelay $0x3  }
0x92: {  	_ =	strace s17  }
0x93: {  	s2 =	sld [smem:$0x3FFC];
	_ =	sdelay $0x3  }
0x94: {  	_ =	strace s2  }
0x95: {  	s2 =	sld [smem:$0x3FFD];
	_ =	sdelay $0x3  }
0x96: {  	_ =	strace s2  }
0x97: {  	_ =	strace $0x8FFFFFFF  }
0x98: {  	s18 =	sld [smem:$0x3FDB];
	_ =	sdelay $0x1  }
0x99: {  	s19 =	simm.s32 $_scs_section_size  }
0x9a: {  	s4 =	simm.s32 $_size__tile_overlayer_lowered;
	s5 =	simm.s32 $_tile_overlayer_lowered  }
0x9b: {  	s22 =	simm.s32 $0x1BFF;
	s21 =	sshll.u32 s5, $0x1;
	s2 =	sadd.s32 s19, s18  }
0x9c: {  	s6 =	simm.s32 $0x0;
	s20 =	sshll.u32 s4, $0x1;
	s4 =	sadd.s32 s21, s2  }
0x9d: {  	[timem:s6], [sflag:s22] =	dma.local [hbm:s4], s20  }
0x9e: {  	_ =	swait.ge [sflag:s22], s20  }
0x9f: {  	s3 =	ssub.s32 $0x0, s20;
	[sflag:s22] =	ssyncset.done $0x0  }
0xa0: {  	[sflag:s22] =	ssyncadd.s32 s3;
	_ =	sdelay $0x1  }
0xa1: {  	s23 =	simm.s32 $0x1B8B  }
0xa2: {  	_ =	swait.ge [sflag:s23], $0x1  }
0xa3: {  	[sflag:s23] =	ssyncset.done $0x0  }
0xa4: {  	s25 =	simm.s32 $0x1B8E;
	s24 =	sld [smem:$0x3FFE];
	[sflag:s23] =	ssyncadd.s32 $0xFFFFFFFF  }
0xa5: {  	s26 =	simm.s32 $execute0_lowered;
	[smem:$0x3FD2] =	sst s25  }
0xa6: {  	s4 =	sshll.u32 s26, $0x1;
	_ =	strace $0x80000046;
	[dreg:$0x1] =	wrdreg $0xFFFFFFFF  }
0xa7: {  	s28 =	simm.s32 $_size_execute0_lowered;
	s2 =	sadd.s32 s2, s4;
	[dreg:$0x0] =	wrdreg $0x0  }
0xa8: {  	s4 =	sshll.u32 s28, $0x1;
	[dreg:$0x2] =	wrdreg s2  }
0xa9: {  	[dreg:$0x3] =	wrdreg s4  }
0xaa: {  	[dreg:$0x4] =	wrdreg $0xC0  }
0xab: {  	_ =	task [dreg:s6], $0x5FFFF  }
0xac: {  	[dreg:$0x1] =	wrdreg $0xFFFFFFFF  }
0xad: {  	[dreg:$0x0] =	wrdreg $0x60  }
0xae: {  	[dreg:$0x2] =	wrdreg s24  }
0xaf: {  	[dreg:$0x3] =	wrdreg $0x9  }
0xb0: {  	_ =	task.clear_ibuf [dreg:s6], $0x4FFFF;
	_ =	strace $0x90000046  }
0xb1: {  	s29 =	simm.s32 $0x9;
	_ =	strace $0x80000048  }
0xb2: {  	_ =	swait.ge [sflag:s29], $0x1  }
0xb3: {  	[sflag:s29] =	ssyncadd.s32 $0xFFFFFFFF  }
0xb4: {  	_ =	strace $0x90000048  }
0xb5: {  	_ =	sfence  }
0xb6: {  	s30 =	sld [smem:$0x0];
	_ =	sdelay $0x2  }
0xb7: {  	s31 =	sshll.u32 s1, $0xD;
	s1 =	sshrl.u32 s1, $0x2  }
0xb8: {  	s3 =	sand.u32 $0x4000, s31;
	s1 =	sadd.s32 s1, s30  }
0xb9: {  	s0 =	sor.u32 s3, s0;
	s1 =	sshll.u32 s1, $0x11  }
0xba: {  	s0 =	sor.u32 s1, s0  }
0xbb: {  	s0 =	sadd.s32 $0x8F2B, s0  }
0xbc: {  	[sflag:s0] =	ssyncadd.remote.s32 $0x1  }
0xbd: {  	_ =	sfence.sel $0xFFFF  }
0xbe: {  	[dreg:$0x0] =	wrdreg $0xFFFFFFFF;
	(pc) =	sbr.abs _section_cstart, $3  }
0xbf: {  	[dreg:$0x1] =	wrdreg $0xFFFFFFFF  }
0xc0: {  	_ =	task.clear_ibuf [dreg:s6], $0x2FFFF;
	_ =	strace $0x9FFFFFFF  }
0xc1: {  	(tm) =	ssettm $0x7FFFFFFF  }
tec
execute0_lowered:
.L_overlay_start_1:
0x0: {  	(tag) =	ssettag $0x1  }
0x1: {  	s1 =	srdreg.scid  }
0x2: {  	s0 =	stileid.u32;
	s6 =	sand.u32 $0x1, s1  }
0x3: {  	s8 =	rddreg [dreg:$0x0];
	s30 =	sshll.u32 s0, $0x8;
	s2 =	sshll.u32 s6, $0x7  }
0x4: {  	s7 =	simm.s32 $0x1;
	s1 =	rddreg [dreg:$0x1];
	s9 =	sor.u32 s2, s30  }
0x5: {  	s5 =	sadd.s32 $0x2200, s8;
	s2 =	simm.s32 $0x0;
	s3 =	sshrl.u32 s9, $0x3  }
0x6: {  	s10 =	ssub.s32 $0x2, s6;
	[smem:$0x7FF] =	sst s2;
	s3 =	sadd.s32 s3, s8  }
0x7: {  	_ =	strace $0x80000047;
	s4 =	sadd.s32 $0xC5800, s3;
	s3 =	simm.s32 $0x2  }
0x8: {  	[tilespmem:s2], [sflag:$0x2] =	stream.linear.gather [hbm4b:s4+s2], $0x80, $0x38;
	[tilespmem:$0x4080] =	vst v63  }
0x9: {  	s6 =	simm.s32 $0x80;
	s11 =	sshrl.u32 s10, $0x1;
	_ =	swait.ge [sflag:s3], $0x80  }
0xa: {  	s9 =	sshll.u32 s9, $0x4;
	s31 =	ssub.s32 s10, s11;
	[sflag:s3] =	ssyncset.done $0x0  }
0xb: {  	s8 =	sadd.s32 s9, s8;
	s9 =	smax.u32 s31, $0x1;
	[sflag:s3] =	ssyncadd.s32 $0xFFFFFF80  }
0xc: {  	[tilespmem:s6], [sflag:$0x1] =	stream.indirect.gather [hbm4b:s5+s6], $0x80, s2, s6, $0xb8;
	[tilespmem:$0x4080] =	vst v63  }
0xd: {  	p0 =	sne.s32 s9, $0x1;
	_ =	swait.ge [sflag:s7], $0x4000  }
.Ltmp0:
0xe: {  	[sflag:s7] =	ssyncset.done $0x0;
	(pc) =	sbr.rel @!p0 .LBB2_2-.Ltmp0, $4  }
0xf: {  	s8 =	sadd.s32 $0xC5A00, s8;
	[sflag:s7] =	ssyncadd.s32 $0xFFFFC000  }
0x10: {  	[hbm4b:s8+s2] =	stream.linear.scatter [tilespmem:s6], [sflag:$0x2], $0x4000, $0x38;
	[tilespmem:$0x4080] =	vst v63  }
0x11: {  	_ =	swait.ge [sflag:s3], $0x4000  }
0x12: {  	s9 =	sadd.s32 $0xFFFFFFFF, s9;
	[sflag:s3] =	ssyncset.done $0x0  }
.LBB2_1:
0x13: {  	p0 =	sne.s32 s9, $0x1;
	s9 =	sadd.s32 $0xFFFFFFFF, s9;
	[sflag:s3] =	ssyncadd.s32 $0xFFFFC000  }
0x14: {  	[tilespmem:s2], [sflag:$0x2] =	stream.linear.gather [hbm4b:s4+s2], $0x80, $0x38;
	[tilespmem:$0x4080] =	vst v63  }
0x15: {  	_ =	swait.ge [sflag:s3], $0x80  }
0x16: {  	[sflag:s3] =	ssyncset.done $0x0  }
0x17: {  	[sflag:s3] =	ssyncadd.s32 $0xFFFFFF80  }
0x18: {  	[tilespmem:s6], [sflag:$0x1] =	stream.indirect.gather [hbm4b:s5+s6], $0x80, s2, s6, $0xb8;
	[tilespmem:$0x4080] =	vst v63  }
0x19: {  	_ =	swait.ge [sflag:s7], $0x4000  }
.Ltmp1:
0x1a: {  	[sflag:s7] =	ssyncset.done $0x0;
	(pc) =	sbr.rel @p0 .LBB2_1-.Ltmp1, $4  }
0x1b: {  	[sflag:s7] =	ssyncadd.s32 $0xFFFFC000  }
0x1c: {  	[hbm4b:s8+s2] =	stream.linear.scatter [tilespmem:s6], [sflag:$0x2], $0x4000, $0x38;
	[tilespmem:$0x4080] =	vst v63  }
0x1d: {  	_ =	swait.ge [sflag:s3], $0x4000  }
0x1e: {  	[sflag:s3] =	ssyncset.done $0x0  }
.LBB2_2:
0x1f: {  	[sflag:s3] =	ssyncadd.s32 $0xFFFFC000  }
0x20: {  	_ =	sfence.sel $0x180000  }
0x21: {  	[bflag:$0x0] =	sbarrier.arrive $0xFFFF  }
0x22: {  	p0 =	sne.s32 s0, $0x0;
	_ =	strace $0x90000047  }
0x23: {  	s0 =	sadd.s32 @!p0 $0x100000, s1;
	[bflag:$0x2] =	sbarrier.arrive $0xFFFF  }
0x24: {  	[sflag:s0] =	ssyncadd.tile.s32 @!p0 $0x1;
	_ =	shalt  }
.Lfunc_end2:
_tile_overlayer_lowered:
.L_overlay_start_2:
0x25: {  	(tag) =	ssettag $0x2  }
0x26: {  	s0 =	rddreg [dreg:$0x0];
	s2 =	stileid.u32  }
0x27: {  	s1 =	rddreg [dreg:$0x1];
	p0 =	sne.s32 s2, $0x0  }
0x28: {  	s3 =	rddreg [dreg:$0x2];
	[bflag:$0x3] =	sbarrier.arrive $0xFFFF;
	s2 =	simm.s32 @!p0 $0x1C02  }
0x29: {  	[timem:s3], [sflag:s2] =	dma.local @!p0 [hbm:s0], s1  }
0x2a: {  	s0 =	simm.s32 @!p0 $0x2  }
0x2b: {  	_ =	swait.ge @!p0 [sflag:s0], s1  }
0x2c: {  	s1 =	ssub.s32 @!p0 $0x0, s1;
	[sflag:s0] =	ssyncset.done @!p0 $0x0  }
0x2d: {  	[sflag:s0] =	ssyncadd.s32 @!p0 s1  }
0x2e: {  	[bflag:$0x3] =	sbarrier.arrive $0xFFFF  }
0x2f: {  	_ =	shalt  }

</sc_bundles>
